<compile_context>
chip_gen: v7x
topology: tpu7x:2x2x1
jax: 0.10.2.dev20260603
libtpu: 0.0.44.dev20260713+nightly
codegen_flags: <defaults>
</compile_context>

<pallas_src>
import functools

import jax
import jax.numpy as jnp
from jax import lax
from jax.experimental import pallas as pl
from jax.experimental.pallas import tpu as pltpu
from jax.experimental.pallas import tpu_sc as plsc

_GATH = 128
_CHUNK = 320
_NBUF = 3


@functools.lru_cache(maxsize=None)
def _make_gather(num_rows, dim, table_rows):
    info = plsc.get_sparse_core_info()
    nc, ns = info.num_cores, info.num_subcores
    nw = nc * ns
    assert num_rows % (nw * _CHUNK) == 0
    cpw = num_rows // (nw * _CHUNK)

    mesh = plsc.VectorSubcoreMesh(core_axis_name="c", subcore_axis_name="s")

    @functools.partial(
        pl.kernel,
        mesh=mesh,
        out_type=jax.ShapeDtypeStruct((num_rows, dim), jnp.float32),
        scratch_types=(
            [pltpu.VMEM((cpw * _CHUNK,), jnp.int32)]
            + [pltpu.VMEM((_CHUNK, dim), jnp.float32)] * _NBUF
            + [pltpu.SemaphoreType.DMA] * _NBUF
        ),
        compiler_params=pltpu.CompilerParams(use_tc_tiling_on_sc=True),
    )
    def gather_k(table_hbm, idx_hbm, out_hbm, idx_v, *bufs_and_sems):
        bufs = bufs_and_sems[:_NBUF]
        sems = bufs_and_sems[_NBUF:]
        wid = lax.axis_index("s") * nc + lax.axis_index("c")
        base = wid * cpw
        pltpu.sync_copy(idx_hbm.at[pl.ds(base * _CHUNK, cpw * _CHUNK)], idx_v)

        def gather_copies(t, b):
            return [
                pltpu.make_async_copy(
                    table_hbm.at[idx_v.at[
                        pl.ds(t * _CHUNK + off, min(_GATH, _CHUNK - off))]],
                    bufs[b].at[pl.ds(off, min(_GATH, _CHUNK - off))], sems[b])
                for off in range(0, _CHUNK, _GATH)
            ]

        def start_chunk(t, b):
            for c in gather_copies(t, b):
                c.start()

        def finish_chunk(t, b):
            for c in gather_copies(t, b):
                c.wait()
            pltpu.sync_copy(
                bufs[b], out_hbm.at[pl.ds((base + t) * _CHUNK, _CHUNK)])

        for p in range(_NBUF - 1):
            start_chunk(p, p)

        def outer(tt, carry):
            for b in range(_NBUF):
                t = tt * _NBUF + b
                for c in gather_copies(t, b):
                    c.wait()

                @pl.when(t + _NBUF - 1 < cpw)
                def _():
                    start_chunk(t + _NBUF - 1, (b + _NBUF - 1) % _NBUF)

                pltpu.sync_copy(
                    bufs[b], out_hbm.at[pl.ds((base + t) * _CHUNK, _CHUNK)])
            return carry

        lax.fori_loop(0, cpw // _NBUF, outer, 0)

        for t in range(cpw - cpw % _NBUF, cpw):
            finish_chunk(t, t % _NBUF)

    return gather_k


def kernel(indices, weight):
    table_rows, dim = weight.shape
    batch, seq = indices.shape
    idx = indices.T.reshape(-1).astype(jnp.int32)
    out = _make_gather(batch * seq, dim, table_rows)(weight, idx)
    return out.reshape(seq, batch, dim).transpose(1, 0, 2)

# --- scband reference (transcript-rebuilt; emitter-appended) ---
"""Pipeline reference for scband-lcmembedding-61675730370645 (READ-ONLY COPY).

The authoritative reference and input builder live on the scoring server;
editing this copy changes nothing except your own understanding.
"""

import jax, jax.numpy as jnp
import numpy as np

NUM_TOPICS = 100000
DIM = 128

def setup_inputs(seed: int = 0) -> dict:
    key = jax.random.key(seed)
    k_idx, k_w = jax.random.split(key)
    indices = jax.random.randint(k_idx, (4096, 50), 0, NUM_TOPICS, dtype=jnp.int64 if jax.config.jax_enable_x64 else jnp.int32)
    # nn.init.uniform_(weight, -1.0, 1.0)
    weight = jax.random.uniform(k_w, (NUM_TOPICS, DIM), dtype=jnp.float32, minval=-1.0, maxval=1.0)
    return {"indices": indices, "weight": weight}

def reference(indices, weight):
    # Faithful translation of nn.Embedding forward: gather rows
    return jnp.take(weight, indices, axis=0)

if __name__ == "__main__":
    import jax
    _d = setup_inputs()
    print(jax.jit(kernel)(*tuple(_d.values())))

</pallas_src>

<mosaic_0001>
#map = affine_map<(d0, d1) -> (0, 0)>
#map1 = affine_map<(d0, d1) -> (0)>
module attributes {stable_mosaic.version = 14 : i64} {
  func.func @gather_k(%arg0: i32, %arg1: i32, %arg2: memref<100000x128xf32, #tpu.memory_space<hbm>>, %arg3: memref<204800xi32, #tpu.memory_space<hbm>>, %arg4: memref<204800x128xf32, #tpu.memory_space<hbm>>, %arg5: memref<6400xi32, #tpu.memory_space<vmem>>, %arg6: memref<320x128xf32, #tpu.memory_space<vmem>>, %arg7: memref<320x128xf32, #tpu.memory_space<vmem>>, %arg8: memref<320x128xf32, #tpu.memory_space<vmem>>, %arg9: memref<!tpu.dma_semaphore, #tpu.memory_space<semaphore_mem>>, %arg10: memref<!tpu.dma_semaphore, #tpu.memory_space<semaphore_mem>>, %arg11: memref<!tpu.dma_semaphore, #tpu.memory_space<semaphore_mem>>) attributes {dimension_semantics = [#tpu.dimension_semantics<core_parallel>, #tpu.dimension_semantics<subcore_parallel>], iteration_bounds = array<i64: 2, 16>, scalar_prefetch = 0 : i64, scratch_operands = 7 : i64, tpu.core_type = #tpu.core_type<sc_vector_subcore>, window_params = [{transform_indices = #map}, {transform_indices = #map1}, {transform_indices = #map}]} {
    %mul3A = arith.constant 2 : i32
    %mul3A_0 = arith.muli %arg1, %mul3A : i32
    %add3A = arith.addi %mul3A_0, %arg0 : i32
    %mul3A_1 = arith.constant 20 : i32
    %mul3A_2 = arith.muli %add3A, %mul3A_1 : i32
    %mul3A_3 = arith.constant 320 : i32
    %mul3A_4 = arith.muli %mul3A_2, %mul3A_3 : i32
    "tpu.region"() ({
      %run_scoped3A = tpu.sem_alloc : memref<!tpu.dma_semaphore, #tpu.memory_space<semaphore_mem>>
      %dma_start3A_112 = tpu.memref_slice %arg3[%mul3A_4] : memref<204800xi32, #tpu.memory_space<hbm>> -> memref<6400xi32, #tpu.memory_space<hbm>>
      %dma_start3A_113 = tpu.memref_slice %arg3[%mul3A_4] : memref<204800xi32, #tpu.memory_space<hbm>> -> memref<6400xi32, #tpu.memory_space<hbm>>
      tpu.enqueue_dma source(%dma_start3A_113 : memref<6400xi32, #tpu.memory_space<hbm>>) target(%arg5 : memref<6400xi32, #tpu.memory_space<vmem>>) target_semaphore(%run_scoped3A : memref<!tpu.dma_semaphore, #tpu.memory_space<semaphore_mem>>)
      %dma_wait3A_114 = tpu.memref_slice %arg3[%mul3A_4] : memref<204800xi32, #tpu.memory_space<hbm>> -> memref<6400xi32, #tpu.memory_space<hbm>>
      %dma_wait3A_115 = tpu.memref_slice %arg3[%mul3A_4] : memref<204800xi32, #tpu.memory_space<hbm>> -> memref<6400xi32, #tpu.memory_space<hbm>>
      tpu.wait_dma2 semaphore(%run_scoped3A : memref<!tpu.dma_semaphore, #tpu.memory_space<semaphore_mem>>) src(%dma_wait3A_115 : memref<6400xi32, #tpu.memory_space<hbm>>) dst(%arg5 : memref<6400xi32, #tpu.memory_space<vmem>>)
      tpu.yield
    }) : () -> ()
    %dma_start3A = arith.constant 0 : i32
    %dma_start3A_5 = arith.constant 0 : i32
    %dma_start3A_6 = tpu.memref_slice %arg6[%dma_start3A, %dma_start3A_5] : memref<320x128xf32, #tpu.memory_space<vmem>> -> memref<128x128xf32, #tpu.memory_space<vmem>>
    %dma_start3A_7 = arith.constant 0 : i32
    %dma_start3A_8 = tpu.memref_slice %arg5[%dma_start3A_7] : memref<6400xi32, #tpu.memory_space<vmem>> -> memref<128xi32, #tpu.memory_space<vmem>>
    %dma_start3A_9 = arith.constant 0 : i32
    %dma_start3A_10 = arith.constant 0 : i32
    %dma_start3A_11 = tpu.memref_slice %arg2[%dma_start3A_9, %dma_start3A_10] : memref<100000x128xf32, #tpu.memory_space<hbm>> -> memref<100000x128xf32, #tpu.memory_space<hbm>>
    tpu.enqueue_indirect_dma source(%dma_start3A_11 : memref<100000x128xf32, #tpu.memory_space<hbm>>) target(%dma_start3A_6 : memref<128x128xf32, #tpu.memory_space<vmem>>) offsets(%dma_start3A_8 : memref<128xi32, #tpu.memory_space<vmem>>) semaphore(%arg9 : memref<!tpu.dma_semaphore, #tpu.memory_space<semaphore_mem>>)
    %dma_start3A_12 = arith.constant 128 : i32
    %dma_start3A_13 = arith.constant 0 : i32
    %dma_start3A_14 = tpu.memref_slice %arg6[%dma_start3A_12, %dma_start3A_13] : memref<320x128xf32, #tpu.memory_space<vmem>> -> memref<128x128xf32, #tpu.memory_space<vmem>>
    %dma_start3A_15 = arith.constant 128 : i32
    %dma_start3A_16 = tpu.memref_slice %arg5[%dma_start3A_15] : memref<6400xi32, #tpu.memory_space<vmem>> -> memref<128xi32, #tpu.memory_space<vmem>>
    %dma_start3A_17 = arith.constant 0 : i32
    %dma_start3A_18 = arith.constant 0 : i32
    %dma_start3A_19 = tpu.memref_slice %arg2[%dma_start3A_17, %dma_start3A_18] : memref<100000x128xf32, #tpu.memory_space<hbm>> -> memref<100000x128xf32, #tpu.memory_space<hbm>>
    tpu.enqueue_indirect_dma source(%dma_start3A_19 : memref<100000x128xf32, #tpu.memory_space<hbm>>) target(%dma_start3A_14 : memref<128x128xf32, #tpu.memory_space<vmem>>) offsets(%dma_start3A_16 : memref<128xi32, #tpu.memory_space<vmem>>) semaphore(%arg9 : memref<!tpu.dma_semaphore, #tpu.memory_space<semaphore_mem>>)
    %dma_start3A_20 = arith.constant 256 : i32
    %dma_start3A_21 = arith.constant 0 : i32
    %dma_start3A_22 = tpu.memref_slice %arg6[%dma_start3A_20, %dma_start3A_21] : memref<320x128xf32, #tpu.memory_space<vmem>> -> memref<64x128xf32, #tpu.memory_space<vmem>>
    %dma_start3A_23 = arith.constant 256 : i32
    %dma_start3A_24 = tpu.memref_slice %arg5[%dma_start3A_23] : memref<6400xi32, #tpu.memory_space<vmem>> -> memref<64xi32, #tpu.memory_space<vmem>>
    %dma_start3A_25 = arith.constant 0 : i32
    %dma_start3A_26 = arith.constant 0 : i32
    %dma_start3A_27 = tpu.memref_slice %arg2[%dma_start3A_25, %dma_start3A_26] : memref<100000x128xf32, #tpu.memory_space<hbm>> -> memref<100000x128xf32, #tpu.memory_space<hbm>>
    tpu.enqueue_indirect_dma source(%dma_start3A_27 : memref<100000x128xf32, #tpu.memory_space<hbm>>) target(%dma_start3A_22 : memref<64x128xf32, #tpu.memory_space<vmem>>) offsets(%dma_start3A_24 : memref<64xi32, #tpu.memory_space<vmem>>) semaphore(%arg9 : memref<!tpu.dma_semaphore, #tpu.memory_space<semaphore_mem>>)
    %dma_start3A_28 = arith.constant 0 : i32
    %dma_start3A_29 = arith.constant 0 : i32
    %dma_start3A_30 = tpu.memref_slice %arg7[%dma_start3A_28, %dma_start3A_29] : memref<320x128xf32, #tpu.memory_space<vmem>> -> memref<128x128xf32, #tpu.memory_space<vmem>>
    %dma_start3A_31 = arith.constant 320 : i32
    %dma_start3A_32 = tpu.memref_slice %arg5[%dma_start3A_31] : memref<6400xi32, #tpu.memory_space<vmem>> -> memref<128xi32, #tpu.memory_space<vmem>>
    %dma_start3A_33 = arith.constant 0 : i32
    %dma_start3A_34 = arith.constant 0 : i32
    %dma_start3A_35 = tpu.memref_slice %arg2[%dma_start3A_33, %dma_start3A_34] : memref<100000x128xf32, #tpu.memory_space<hbm>> -> memref<100000x128xf32, #tpu.memory_space<hbm>>
    tpu.enqueue_indirect_dma source(%dma_start3A_35 : memref<100000x128xf32, #tpu.memory_space<hbm>>) target(%dma_start3A_30 : memref<128x128xf32, #tpu.memory_space<vmem>>) offsets(%dma_start3A_32 : memref<128xi32, #tpu.memory_space<vmem>>) semaphore(%arg10 : memref<!tpu.dma_semaphore, #tpu.memory_space<semaphore_mem>>)
    %dma_start3A_36 = arith.constant 128 : i32
    %dma_start3A_37 = arith.constant 0 : i32
    %dma_start3A_38 = tpu.memref_slice %arg7[%dma_start3A_36, %dma_start3A_37] : memref<320x128xf32, #tpu.memory_space<vmem>> -> memref<128x128xf32, #tpu.memory_space<vmem>>
    %dma_start3A_39 = arith.constant 448 : i32
    %dma_start3A_40 = tpu.memref_slice %arg5[%dma_start3A_39] : memref<6400xi32, #tpu.memory_space<vmem>> -> memref<128xi32, #tpu.memory_space<vmem>>
    %dma_start3A_41 = arith.constant 0 : i32
    %dma_start3A_42 = arith.constant 0 : i32
    %dma_start3A_43 = tpu.memref_slice %arg2[%dma_start3A_41, %dma_start3A_42] : memref<100000x128xf32, #tpu.memory_space<hbm>> -> memref<100000x128xf32, #tpu.memory_space<hbm>>
    tpu.enqueue_indirect_dma source(%dma_start3A_43 : memref<100000x128xf32, #tpu.memory_space<hbm>>) target(%dma_start3A_38 : memref<128x128xf32, #tpu.memory_space<vmem>>) offsets(%dma_start3A_40 : memref<128xi32, #tpu.memory_space<vmem>>) semaphore(%arg10 : memref<!tpu.dma_semaphore, #tpu.memory_space<semaphore_mem>>)
    %dma_start3A_44 = arith.constant 256 : i32
    %dma_start3A_45 = arith.constant 0 : i32
    %dma_start3A_46 = tpu.memref_slice %arg7[%dma_start3A_44, %dma_start3A_45] : memref<320x128xf32, #tpu.memory_space<vmem>> -> memref<64x128xf32, #tpu.memory_space<vmem>>
    %dma_start3A_47 = arith.constant 576 : i32
    %dma_start3A_48 = tpu.memref_slice %arg5[%dma_start3A_47] : memref<6400xi32, #tpu.memory_space<vmem>> -> memref<64xi32, #tpu.memory_space<vmem>>
    %dma_start3A_49 = arith.constant 0 : i32
    %dma_start3A_50 = arith.constant 0 : i32
    %dma_start3A_51 = tpu.memref_slice %arg2[%dma_start3A_49, %dma_start3A_50] : memref<100000x128xf32, #tpu.memory_space<hbm>> -> memref<100000x128xf32, #tpu.memory_space<hbm>>
    tpu.enqueue_indirect_dma source(%dma_start3A_51 : memref<100000x128xf32, #tpu.memory_space<hbm>>) target(%dma_start3A_46 : memref<64x128xf32, #tpu.memory_space<vmem>>) offsets(%dma_start3A_48 : memref<64xi32, #tpu.memory_space<vmem>>) semaphore(%arg10 : memref<!tpu.dma_semaphore, #tpu.memory_space<semaphore_mem>>)
    %scan3A = arith.constant 0 : i32
    %scan3A_52 = arith.constant 0 : i32
    %scan3A_53 = arith.constant 6 : i32
    %scan3A_54 = arith.addi %scan3A_52, %scan3A_53 : i32
    %scan3A_55 = arith.constant 1 : i32
    scf.for %scan3A_112 = %scan3A_52 to %scan3A_54 step %scan3A_55  : i32 {
      %mul3A_113 = arith.constant 3 : i32
      %mul3A_114 = arith.muli %scan3A_112, %mul3A_113 : i32
      %add3A_115 = arith.constant 0 : i32
      %add3A_116 = arith.addi %mul3A_114, %add3A_115 : i32
      %mul3A_117 = arith.constant 320 : i32
      %mul3A_118 = arith.muli %add3A_116, %mul3A_117 : i32
      %add3A_119 = arith.constant 0 : i32
      %add3A_120 = arith.addi %mul3A_118, %add3A_119 : i32
      %mul3A_121 = arith.constant 320 : i32
      %mul3A_122 = arith.muli %add3A_116, %mul3A_121 : i32
      %add3A_123 = arith.constant 128 : i32
      %add3A_124 = arith.addi %mul3A_122, %add3A_123 : i32
      %mul3A_125 = arith.constant 320 : i32
      %mul3A_126 = arith.muli %add3A_116, %mul3A_125 : i32
      %add3A_127 = arith.constant 256 : i32
      %add3A_128 = arith.addi %mul3A_126, %add3A_127 : i32
      %dma_wait3A_129 = arith.constant 0 : i32
      %dma_wait3A_130 = arith.constant 0 : i32
      %dma_wait3A_131 = tpu.memref_slice %arg6[%dma_wait3A_129, %dma_wait3A_130] : memref<320x128xf32, #tpu.memory_space<vmem>> -> memref<128x128xf32, #tpu.memory_space<vmem>>
      %dma_wait3A_132 = tpu.memref_slice %arg5[%add3A_120] : memref<6400xi32, #tpu.memory_space<vmem>> -> memref<128xi32, #tpu.memory_space<vmem>>
      %dma_wait3A_133 = arith.constant 0 : i32
      %dma_wait3A_134 = arith.constant 0 : i32
      %dma_wait3A_135 = tpu.memref_slice %arg2[%dma_wait3A_133, %dma_wait3A_134] : memref<100000x128xf32, #tpu.memory_space<hbm>> -> memref<100000x128xf32, #tpu.memory_space<hbm>>
      tpu.wait_indirect_dma semaphore(%arg9 : memref<!tpu.dma_semaphore, #tpu.memory_space<semaphore_mem>>) src(%dma_wait3A_135 : memref<100000x128xf32, #tpu.memory_space<hbm>>) dst(%dma_wait3A_131 : memref<128x128xf32, #tpu.memory_space<vmem>>)
      %dma_wait3A_136 = arith.constant 128 : i32
      %dma_wait3A_137 = arith.constant 0 : i32
      %dma_wait3A_138 = tpu.memref_slice %arg6[%dma_wait3A_136, %dma_wait3A_137] : memref<320x128xf32, #tpu.memory_space<vmem>> -> memref<128x128xf32, #tpu.memory_space<vmem>>
      %dma_wait3A_139 = tpu.memref_slice %arg5[%add3A_124] : memref<6400xi32, #tpu.memory_space<vmem>> -> memref<128xi32, #tpu.memory_space<vmem>>
      %dma_wait3A_140 = arith.constant 0 : i32
      %dma_wait3A_141 = arith.constant 0 : i32
      %dma_wait3A_142 = tpu.memref_slice %arg2[%dma_wait3A_140, %dma_wait3A_141] : memref<100000x128xf32, #tpu.memory_space<hbm>> -> memref<100000x128xf32, #tpu.memory_space<hbm>>
      tpu.wait_indirect_dma semaphore(%arg9 : memref<!tpu.dma_semaphore, #tpu.memory_space<semaphore_mem>>) src(%dma_wait3A_142 : memref<100000x128xf32, #tpu.memory_space<hbm>>) dst(%dma_wait3A_138 : memref<128x128xf32, #tpu.memory_space<vmem>>)
      %dma_wait3A_143 = arith.constant 256 : i32
      %dma_wait3A_144 = arith.constant 0 : i32
      %dma_wait3A_145 = tpu.memref_slice %arg6[%dma_wait3A_143, %dma_wait3A_144] : memref<320x128xf32, #tpu.memory_space<vmem>> -> memref<64x128xf32, #tpu.memory_space<vmem>>
      %dma_wait3A_146 = tpu.memref_slice %arg5[%add3A_128] : memref<6400xi32, #tpu.memory_space<vmem>> -> memref<64xi32, #tpu.memory_space<vmem>>
      %dma_wait3A_147 = arith.constant 0 : i32
      %dma_wait3A_148 = arith.constant 0 : i32
      %dma_wait3A_149 = tpu.memref_slice %arg2[%dma_wait3A_147, %dma_wait3A_148] : memref<100000x128xf32, #tpu.memory_space<hbm>> -> memref<100000x128xf32, #tpu.memory_space<hbm>>
      tpu.wait_indirect_dma semaphore(%arg9 : memref<!tpu.dma_semaphore, #tpu.memory_space<semaphore_mem>>) src(%dma_wait3A_149 : memref<100000x128xf32, #tpu.memory_space<hbm>>) dst(%dma_wait3A_145 : memref<64x128xf32, #tpu.memory_space<vmem>>)
      %add3A_150 = arith.constant 3 : i32
      %add3A_151 = arith.addi %add3A_116, %add3A_150 : i32
      %sub3A = arith.constant 1 : i32
      %sub3A_152 = arith.subi %add3A_151, %sub3A : i32
      %lt3A = arith.constant 20 : i32
      %lt3A_153 = arith.cmpi slt, %sub3A_152, %lt3A : i32
      %convert_element_type3A = arith.extui %lt3A_153 : i1 to i32
      %cond3A = arith.constant 0 : i32
      %cond3A_154 = arith.cmpi ne, %convert_element_type3A, %cond3A : i32
      scf.if %cond3A_154 {
        %add3A_256 = arith.constant 3 : i32
        %add3A_257 = arith.addi %add3A_116, %add3A_256 : i32
        %sub3A_258 = arith.constant 1 : i32
        %sub3A_259 = arith.subi %add3A_257, %sub3A_258 : i32
        %mul3A_260 = arith.constant 320 : i32
        %mul3A_261 = arith.muli %sub3A_259, %mul3A_260 : i32
        %add3A_262 = arith.constant 0 : i32
        %add3A_263 = arith.addi %mul3A_261, %add3A_262 : i32
        %mul3A_264 = arith.constant 320 : i32
        %mul3A_265 = arith.muli %sub3A_259, %mul3A_264 : i32
        %add3A_266 = arith.constant 128 : i32
        %add3A_267 = arith.addi %mul3A_265, %add3A_266 : i32
        %mul3A_268 = arith.constant 320 : i32
        %mul3A_269 = arith.muli %sub3A_259, %mul3A_268 : i32
        %add3A_270 = arith.constant 256 : i32
        %add3A_271 = arith.addi %mul3A_269, %add3A_270 : i32
        %dma_start3A_272 = arith.constant 0 : i32
        %dma_start3A_273 = arith.constant 0 : i32
        %dma_start3A_274 = tpu.memref_slice %arg8[%dma_start3A_272, %dma_start3A_273] : memref<320x128xf32, #tpu.memory_space<vmem>> -> memref<128x128xf32, #tpu.memory_space<vmem>>
        %dma_start3A_275 = tpu.memref_slice %arg5[%add3A_263] : memref<6400xi32, #tpu.memory_space<vmem>> -> memref<128xi32, #tpu.memory_space<vmem>>
        %dma_start3A_276 = arith.constant 0 : i32
        %dma_start3A_277 = arith.constant 0 : i32
        %dma_start3A_278 = tpu.memref_slice %arg2[%dma_start3A_276, %dma_start3A_277] : memref<100000x128xf32, #tpu.memory_space<hbm>> -> memref<100000x128xf32, #tpu.memory_space<hbm>>
        tpu.enqueue_indirect_dma source(%dma_start3A_278 : memref<100000x128xf32, #tpu.memory_space<hbm>>) target(%dma_start3A_274 : memref<128x128xf32, #tpu.memory_space<vmem>>) offsets(%dma_start3A_275 : memref<128xi32, #tpu.memory_space<vmem>>) semaphore(%arg11 : memref<!tpu.dma_semaphore, #tpu.memory_space<semaphore_mem>>)
        %dma_start3A_279 = arith.constant 128 : i32
        %dma_start3A_280 = arith.constant 0 : i32
        %dma_start3A_281 = tpu.memref_slice %arg8[%dma_start3A_279, %dma_start3A_280] : memref<320x128xf32, #tpu.memory_space<vmem>> -> memref<128x128xf32, #tpu.memory_space<vmem>>
        %dma_start3A_282 = tpu.memref_slice %arg5[%add3A_267] : memref<6400xi32, #tpu.memory_space<vmem>> -> memref<128xi32, #tpu.memory_space<vmem>>
        %dma_start3A_283 = arith.constant 0 : i32
        %dma_start3A_284 = arith.constant 0 : i32
        %dma_start3A_285 = tpu.memref_slice %arg2[%dma_start3A_283, %dma_start3A_284] : memref<100000x128xf32, #tpu.memory_space<hbm>> -> memref<100000x128xf32, #tpu.memory_space<hbm>>
        tpu.enqueue_indirect_dma source(%dma_start3A_285 : memref<100000x128xf32, #tpu.memory_space<hbm>>) target(%dma_start3A_281 : memref<128x128xf32, #tpu.memory_space<vmem>>) offsets(%dma_start3A_282 : memref<128xi32, #tpu.memory_space<vmem>>) semaphore(%arg11 : memref<!tpu.dma_semaphore, #tpu.memory_space<semaphore_mem>>)
        %dma_start3A_286 = arith.constant 256 : i32
        %dma_start3A_287 = arith.constant 0 : i32
        %dma_start3A_288 = tpu.memref_slice %arg8[%dma_start3A_286, %dma_start3A_287] : memref<320x128xf32, #tpu.memory_space<vmem>> -> memref<64x128xf32, #tpu.memory_space<vmem>>
        %dma_start3A_289 = tpu.memref_slice %arg5[%add3A_271] : memref<6400xi32, #tpu.memory_space<vmem>> -> memref<64xi32, #tpu.memory_space<vmem>>
        %dma_start3A_290 = arith.constant 0 : i32
        %dma_start3A_291 = arith.constant 0 : i32
        %dma_start3A_292 = tpu.memref_slice %arg2[%dma_start3A_290, %dma_start3A_291] : memref<100000x128xf32, #tpu.memory_space<hbm>> -> memref<100000x128xf32, #tpu.memory_space<hbm>>
        tpu.enqueue_indirect_dma source(%dma_start3A_292 : memref<100000x128xf32, #tpu.memory_space<hbm>>) target(%dma_start3A_288 : memref<64x128xf32, #tpu.memory_space<vmem>>) offsets(%dma_start3A_289 : memref<64xi32, #tpu.memory_space<vmem>>) semaphore(%arg11 : memref<!tpu.dma_semaphore, #tpu.memory_space<semaphore_mem>>)
      } else {
      }
      %add3A_155 = arith.addi %mul3A_2, %add3A_116 : i32
      %mul3A_156 = arith.constant 320 : i32
      %mul3A_157 = arith.muli %add3A_155, %mul3A_156 : i32
      "tpu.region"() ({
        %run_scoped3A = tpu.sem_alloc : memref<!tpu.dma_semaphore, #tpu.memory_space<semaphore_mem>>
        %dma_start3A_256 = arith.constant 0 : i32
        %dma_start3A_257 = tpu.memref_slice %arg4[%mul3A_157, %dma_start3A_256] : memref<204800x128xf32, #tpu.memory_space<hbm>> -> memref<320x128xf32, #tpu.memory_space<hbm>>
        %dma_start3A_258 = arith.constant 0 : i32
        %dma_start3A_259 = tpu.memref_slice %arg4[%mul3A_157, %dma_start3A_258] : memref<204800x128xf32, #tpu.memory_space<hbm>> -> memref<320x128xf32, #tpu.memory_space<hbm>>
        tpu.enqueue_dma source(%arg6 : memref<320x128xf32, #tpu.memory_space<vmem>>) target(%dma_start3A_259 : memref<320x128xf32, #tpu.memory_space<hbm>>) target_semaphore(%run_scoped3A : memref<!tpu.dma_semaphore, #tpu.memory_space<semaphore_mem>>)
        %dma_wait3A_260 = arith.constant 0 : i32
        %dma_wait3A_261 = tpu.memref_slice %arg4[%mul3A_157, %dma_wait3A_260] : memref<204800x128xf32, #tpu.memory_space<hbm>> -> memref<320x128xf32, #tpu.memory_space<hbm>>
        %dma_wait3A_262 = arith.constant 0 : i32
        %dma_wait3A_263 = tpu.memref_slice %arg4[%mul3A_157, %dma_wait3A_262] : memref<204800x128xf32, #tpu.memory_space<hbm>> -> memref<320x128xf32, #tpu.memory_space<hbm>>
        tpu.wait_dma2 semaphore(%run_scoped3A : memref<!tpu.dma_semaphore, #tpu.memory_space<semaphore_mem>>) src(%arg6 : memref<320x128xf32, #tpu.memory_space<vmem>>) dst(%dma_wait3A_263 : memref<320x128xf32, #tpu.memory_space<hbm>>)
        tpu.yield
      }) : () -> ()
      %mul3A_158 = arith.constant 3 : i32
      %mul3A_159 = arith.muli %scan3A_112, %mul3A_158 : i32
      %add3A_160 = arith.constant 1 : i32
      %add3A_161 = arith.addi %mul3A_159, %add3A_160 : i32
      %mul3A_162 = arith.constant 320 : i32
      %mul3A_163 = arith.muli %add3A_161, %mul3A_162 : i32
      %add3A_164 = arith.constant 0 : i32
      %add3A_165 = arith.addi %mul3A_163, %add3A_164 : i32
      %mul3A_166 = arith.constant 320 : i32
      %mul3A_167 = arith.muli %add3A_161, %mul3A_166 : i32
      %add3A_168 = arith.constant 128 : i32
      %add3A_169 = arith.addi %mul3A_167, %add3A_168 : i32
      %mul3A_170 = arith.constant 320 : i32
      %mul3A_171 = arith.muli %add3A_161, %mul3A_170 : i32
      %add3A_172 = arith.constant 256 : i32
      %add3A_173 = arith.addi %mul3A_171, %add3A_172 : i32
      %dma_wait3A_174 = arith.constant 0 : i32
      %dma_wait3A_175 = arith.constant 0 : i32
      %dma_wait3A_176 = tpu.memref_slice %arg7[%dma_wait3A_174, %dma_wait3A_175] : memref<320x128xf32, #tpu.memory_space<vmem>> -> memref<128x128xf32, #tpu.memory_space<vmem>>
      %dma_wait3A_177 = tpu.memref_slice %arg5[%add3A_165] : memref<6400xi32, #tpu.memory_space<vmem>> -> memref<128xi32, #tpu.memory_space<vmem>>
      %dma_wait3A_178 = arith.constant 0 : i32
      %dma_wait3A_179 = arith.constant 0 : i32
      %dma_wait3A_180 = tpu.memref_slice %arg2[%dma_wait3A_178, %dma_wait3A_179] : memref<100000x128xf32, #tpu.memory_space<hbm>> -> memref<100000x128xf32, #tpu.memory_space<hbm>>
      tpu.wait_indirect_dma semaphore(%arg10 : memref<!tpu.dma_semaphore, #tpu.memory_space<semaphore_mem>>) src(%dma_wait3A_180 : memref<100000x128xf32, #tpu.memory_space<hbm>>) dst(%dma_wait3A_176 : memref<128x128xf32, #tpu.memory_space<vmem>>)
      %dma_wait3A_181 = arith.constant 128 : i32
      %dma_wait3A_182 = arith.constant 0 : i32
      %dma_wait3A_183 = tpu.memref_slice %arg7[%dma_wait3A_181, %dma_wait3A_182] : memref<320x128xf32, #tpu.memory_space<vmem>> -> memref<128x128xf32, #tpu.memory_space<vmem>>
      %dma_wait3A_184 = tpu.memref_slice %arg5[%add3A_169] : memref<6400xi32, #tpu.memory_space<vmem>> -> memref<128xi32, #tpu.memory_space<vmem>>
      %dma_wait3A_185 = arith.constant 0 : i32
      %dma_wait3A_186 = arith.constant 0 : i32
      %dma_wait3A_187 = tpu.memref_slice %arg2[%dma_wait3A_185, %dma_wait3A_186] : memref<100000x128xf32, #tpu.memory_space<hbm>> -> memref<100000x128xf32, #tpu.memory_space<hbm>>
      tpu.wait_indirect_dma semaphore(%arg10 : memref<!tpu.dma_semaphore, #tpu.memory_space<semaphore_mem>>) src(%dma_wait3A_187 : memref<100000x128xf32, #tpu.memory_space<hbm>>) dst(%dma_wait3A_183 : memref<128x128xf32, #tpu.memory_space<vmem>>)
      %dma_wait3A_188 = arith.constant 256 : i32
      %dma_wait3A_189 = arith.constant 0 : i32
      %dma_wait3A_190 = tpu.memref_slice %arg7[%dma_wait3A_188, %dma_wait3A_189] : memref<320x128xf32, #tpu.memory_space<vmem>> -> memref<64x128xf32, #tpu.memory_space<vmem>>
      %dma_wait3A_191 = tpu.memref_slice %arg5[%add3A_173] : memref<6400xi32, #tpu.memory_space<vmem>> -> memref<64xi32, #tpu.memory_space<vmem>>
      %dma_wait3A_192 = arith.constant 0 : i32
      %dma_wait3A_193 = arith.constant 0 : i32
      %dma_wait3A_194 = tpu.memref_slice %arg2[%dma_wait3A_192, %dma_wait3A_193] : memref<100000x128xf32, #tpu.memory_space<hbm>> -> memref<100000x128xf32, #tpu.memory_space<hbm>>
      tpu.wait_indirect_dma semaphore(%arg10 : memref<!tpu.dma_semaphore, #tpu.memory_space<semaphore_mem>>) src(%dma_wait3A_194 : memref<100000x128xf32, #tpu.memory_space<hbm>>) dst(%dma_wait3A_190 : memref<64x128xf32, #tpu.memory_space<vmem>>)
      %add3A_195 = arith.constant 3 : i32
      %add3A_196 = arith.addi %add3A_161, %add3A_195 : i32
      %sub3A_197 = arith.constant 1 : i32
      %sub3A_198 = arith.subi %add3A_196, %sub3A_197 : i32
      %lt3A_199 = arith.constant 20 : i32
      %lt3A_200 = arith.cmpi slt, %sub3A_198, %lt3A_199 : i32
      %convert_element_type3A_201 = arith.extui %lt3A_200 : i1 to i32
      %cond3A_202 = arith.constant 0 : i32
      %cond3A_203 = arith.cmpi ne, %convert_element_type3A_201, %cond3A_202 : i32
      scf.if %cond3A_203 {
        %add3A_256 = arith.constant 3 : i32
        %add3A_257 = arith.addi %add3A_161, %add3A_256 : i32
        %sub3A_258 = arith.constant 1 : i32
        %sub3A_259 = arith.subi %add3A_257, %sub3A_258 : i32
        %mul3A_260 = arith.constant 320 : i32
        %mul3A_261 = arith.muli %sub3A_259, %mul3A_260 : i32
        %add3A_262 = arith.constant 0 : i32
        %add3A_263 = arith.addi %mul3A_261, %add3A_262 : i32
        %mul3A_264 = arith.constant 320 : i32
        %mul3A_265 = arith.muli %sub3A_259, %mul3A_264 : i32
        %add3A_266 = arith.constant 128 : i32
        %add3A_267 = arith.addi %mul3A_265, %add3A_266 : i32
        %mul3A_268 = arith.constant 320 : i32
        %mul3A_269 = arith.muli %sub3A_259, %mul3A_268 : i32
        %add3A_270 = arith.constant 256 : i32
        %add3A_271 = arith.addi %mul3A_269, %add3A_270 : i32
        %dma_start3A_272 = arith.constant 0 : i32
        %dma_start3A_273 = arith.constant 0 : i32
        %dma_start3A_274 = tpu.memref_slice %arg6[%dma_start3A_272, %dma_start3A_273] : memref<320x128xf32, #tpu.memory_space<vmem>> -> memref<128x128xf32, #tpu.memory_space<vmem>>
        %dma_start3A_275 = tpu.memref_slice %arg5[%add3A_263] : memref<6400xi32, #tpu.memory_space<vmem>> -> memref<128xi32, #tpu.memory_space<vmem>>
        %dma_start3A_276 = arith.constant 0 : i32
        %dma_start3A_277 = arith.constant 0 : i32
        %dma_start3A_278 = tpu.memref_slice %arg2[%dma_start3A_276, %dma_start3A_277] : memref<100000x128xf32, #tpu.memory_space<hbm>> -> memref<100000x128xf32, #tpu.memory_space<hbm>>
        tpu.enqueue_indirect_dma source(%dma_start3A_278 : memref<100000x128xf32, #tpu.memory_space<hbm>>) target(%dma_start3A_274 : memref<128x128xf32, #tpu.memory_space<vmem>>) offsets(%dma_start3A_275 : memref<128xi32, #tpu.memory_space<vmem>>) semaphore(%arg9 : memref<!tpu.dma_semaphore, #tpu.memory_space<semaphore_mem>>)
        %dma_start3A_279 = arith.constant 128 : i32
        %dma_start3A_280 = arith.constant 0 : i32
        %dma_start3A_281 = tpu.memref_slice %arg6[%dma_start3A_279, %dma_start3A_280] : memref<320x128xf32, #tpu.memory_space<vmem>> -> memref<128x128xf32, #tpu.memory_space<vmem>>
        %dma_start3A_282 = tpu.memref_slice %arg5[%add3A_267] : memref<6400xi32, #tpu.memory_space<vmem>> -> memref<128xi32, #tpu.memory_space<vmem>>
        %dma_start3A_283 = arith.constant 0 : i32
        %dma_start3A_284 = arith.constant 0 : i32
        %dma_start3A_285 = tpu.memref_slice %arg2[%dma_start3A_283, %dma_start3A_284] : memref<100000x128xf32, #tpu.memory_space<hbm>> -> memref<100000x128xf32, #tpu.memory_space<hbm>>
        tpu.enqueue_indirect_dma source(%dma_start3A_285 : memref<100000x128xf32, #tpu.memory_space<hbm>>) target(%dma_start3A_281 : memref<128x128xf32, #tpu.memory_space<vmem>>) offsets(%dma_start3A_282 : memref<128xi32, #tpu.memory_space<vmem>>) semaphore(%arg9 : memref<!tpu.dma_semaphore, #tpu.memory_space<semaphore_mem>>)
        %dma_start3A_286 = arith.constant 256 : i32
        %dma_start3A_287 = arith.constant 0 : i32
        %dma_start3A_288 = tpu.memref_slice %arg6[%dma_start3A_286, %dma_start3A_287] : memref<320x128xf32, #tpu.memory_space<vmem>> -> memref<64x128xf32, #tpu.memory_space<vmem>>
        %dma_start3A_289 = tpu.memref_slice %arg5[%add3A_271] : memref<6400xi32, #tpu.memory_space<vmem>> -> memref<64xi32, #tpu.memory_space<vmem>>
        %dma_start3A_290 = arith.constant 0 : i32
        %dma_start3A_291 = arith.constant 0 : i32
        %dma_start3A_292 = tpu.memref_slice %arg2[%dma_start3A_290, %dma_start3A_291] : memref<100000x128xf32, #tpu.memory_space<hbm>> -> memref<100000x128xf32, #tpu.memory_space<hbm>>
        tpu.enqueue_indirect_dma source(%dma_start3A_292 : memref<100000x128xf32, #tpu.memory_space<hbm>>) target(%dma_start3A_288 : memref<64x128xf32, #tpu.memory_space<vmem>>) offsets(%dma_start3A_289 : memref<64xi32, #tpu.memory_space<vmem>>) semaphore(%arg9 : memref<!tpu.dma_semaphore, #tpu.memory_space<semaphore_mem>>)
      } else {
      }
      %add3A_204 = arith.addi %mul3A_2, %add3A_161 : i32
      %mul3A_205 = arith.constant 320 : i32
      %mul3A_206 = arith.muli %add3A_204, %mul3A_205 : i32
      "tpu.region"() ({
        %run_scoped3A = tpu.sem_alloc : memref<!tpu.dma_semaphore, #tpu.memory_space<semaphore_mem>>
        %dma_start3A_256 = arith.constant 0 : i32
        %dma_start3A_257 = tpu.memref_slice %arg4[%mul3A_206, %dma_start3A_256] : memref<204800x128xf32, #tpu.memory_space<hbm>> -> memref<320x128xf32, #tpu.memory_space<hbm>>
        %dma_start3A_258 = arith.constant 0 : i32
        %dma_start3A_259 = tpu.memref_slice %arg4[%mul3A_206, %dma_start3A_258] : memref<204800x128xf32, #tpu.memory_space<hbm>> -> memref<320x128xf32, #tpu.memory_space<hbm>>
        tpu.enqueue_dma source(%arg7 : memref<320x128xf32, #tpu.memory_space<vmem>>) target(%dma_start3A_259 : memref<320x128xf32, #tpu.memory_space<hbm>>) target_semaphore(%run_scoped3A : memref<!tpu.dma_semaphore, #tpu.memory_space<semaphore_mem>>)
        %dma_wait3A_260 = arith.constant 0 : i32
        %dma_wait3A_261 = tpu.memref_slice %arg4[%mul3A_206, %dma_wait3A_260] : memref<204800x128xf32, #tpu.memory_space<hbm>> -> memref<320x128xf32, #tpu.memory_space<hbm>>
        %dma_wait3A_262 = arith.constant 0 : i32
        %dma_wait3A_263 = tpu.memref_slice %arg4[%mul3A_206, %dma_wait3A_262] : memref<204800x128xf32, #tpu.memory_space<hbm>> -> memref<320x128xf32, #tpu.memory_space<hbm>>
        tpu.wait_dma2 semaphore(%run_scoped3A : memref<!tpu.dma_semaphore, #tpu.memory_space<semaphore_mem>>) src(%arg7 : memref<320x128xf32, #tpu.memory_space<vmem>>) dst(%dma_wait3A_263 : memref<320x128xf32, #tpu.memory_space<hbm>>)
        tpu.yield
      }) : () -> ()
      %mul3A_207 = arith.constant 3 : i32
      %mul3A_208 = arith.muli %scan3A_112, %mul3A_207 : i32
      %add3A_209 = arith.constant 2 : i32
      %add3A_210 = arith.addi %mul3A_208, %add3A_209 : i32
      %mul3A_211 = arith.constant 320 : i32
      %mul3A_212 = arith.muli %add3A_210, %mul3A_211 : i32
      %add3A_213 = arith.constant 0 : i32
      %add3A_214 = arith.addi %mul3A_212, %add3A_213 : i32
      %mul3A_215 = arith.constant 320 : i32
      %mul3A_216 = arith.muli %add3A_210, %mul3A_215 : i32
      %add3A_217 = arith.constant 128 : i32
      %add3A_218 = arith.addi %mul3A_216, %add3A_217 : i32
      %mul3A_219 = arith.constant 320 : i32
      %mul3A_220 = arith.muli %add3A_210, %mul3A_219 : i32
      %add3A_221 = arith.constant 256 : i32
      %add3A_222 = arith.addi %mul3A_220, %add3A_221 : i32
      %dma_wait3A_223 = arith.constant 0 : i32
      %dma_wait3A_224 = arith.constant 0 : i32
      %dma_wait3A_225 = tpu.memref_slice %arg8[%dma_wait3A_223, %dma_wait3A_224] : memref<320x128xf32, #tpu.memory_space<vmem>> -> memref<128x128xf32, #tpu.memory_space<vmem>>
      %dma_wait3A_226 = tpu.memref_slice %arg5[%add3A_214] : memref<6400xi32, #tpu.memory_space<vmem>> -> memref<128xi32, #tpu.memory_space<vmem>>
      %dma_wait3A_227 = arith.constant 0 : i32
      %dma_wait3A_228 = arith.constant 0 : i32
      %dma_wait3A_229 = tpu.memref_slice %arg2[%dma_wait3A_227, %dma_wait3A_228] : memref<100000x128xf32, #tpu.memory_space<hbm>> -> memref<100000x128xf32, #tpu.memory_space<hbm>>
      tpu.wait_indirect_dma semaphore(%arg11 : memref<!tpu.dma_semaphore, #tpu.memory_space<semaphore_mem>>) src(%dma_wait3A_229 : memref<100000x128xf32, #tpu.memory_space<hbm>>) dst(%dma_wait3A_225 : memref<128x128xf32, #tpu.memory_space<vmem>>)
      %dma_wait3A_230 = arith.constant 128 : i32
      %dma_wait3A_231 = arith.constant 0 : i32
      %dma_wait3A_232 = tpu.memref_slice %arg8[%dma_wait3A_230, %dma_wait3A_231] : memref<320x128xf32, #tpu.memory_space<vmem>> -> memref<128x128xf32, #tpu.memory_space<vmem>>
      %dma_wait3A_233 = tpu.memref_slice %arg5[%add3A_218] : memref<6400xi32, #tpu.memory_space<vmem>> -> memref<128xi32, #tpu.memory_space<vmem>>
      %dma_wait3A_234 = arith.constant 0 : i32
      %dma_wait3A_235 = arith.constant 0 : i32
      %dma_wait3A_236 = tpu.memref_slice %arg2[%dma_wait3A_234, %dma_wait3A_235] : memref<100000x128xf32, #tpu.memory_space<hbm>> -> memref<100000x128xf32, #tpu.memory_space<hbm>>
      tpu.wait_indirect_dma semaphore(%arg11 : memref<!tpu.dma_semaphore, #tpu.memory_space<semaphore_mem>>) src(%dma_wait3A_236 : memref<100000x128xf32, #tpu.memory_space<hbm>>) dst(%dma_wait3A_232 : memref<128x128xf32, #tpu.memory_space<vmem>>)
      %dma_wait3A_237 = arith.constant 256 : i32
      %dma_wait3A_238 = arith.constant 0 : i32
      %dma_wait3A_239 = tpu.memref_slice %arg8[%dma_wait3A_237, %dma_wait3A_238] : memref<320x128xf32, #tpu.memory_space<vmem>> -> memref<64x128xf32, #tpu.memory_space<vmem>>
      %dma_wait3A_240 = tpu.memref_slice %arg5[%add3A_222] : memref<6400xi32, #tpu.memory_space<vmem>> -> memref<64xi32, #tpu.memory_space<vmem>>
      %dma_wait3A_241 = arith.constant 0 : i32
      %dma_wait3A_242 = arith.constant 0 : i32
      %dma_wait3A_243 = tpu.memref_slice %arg2[%dma_wait3A_241, %dma_wait3A_242] : memref<100000x128xf32, #tpu.memory_space<hbm>> -> memref<100000x128xf32, #tpu.memory_space<hbm>>
      tpu.wait_indirect_dma semaphore(%arg11 : memref<!tpu.dma_semaphore, #tpu.memory_space<semaphore_mem>>) src(%dma_wait3A_243 : memref<100000x128xf32, #tpu.memory_space<hbm>>) dst(%dma_wait3A_239 : memref<64x128xf32, #tpu.memory_space<vmem>>)
      %add3A_244 = arith.constant 3 : i32
      %add3A_245 = arith.addi %add3A_210, %add3A_244 : i32
      %sub3A_246 = arith.constant 1 : i32
      %sub3A_247 = arith.subi %add3A_245, %sub3A_246 : i32
      %lt3A_248 = arith.constant 20 : i32
      %lt3A_249 = arith.cmpi slt, %sub3A_247, %lt3A_248 : i32
      %convert_element_type3A_250 = arith.extui %lt3A_249 : i1 to i32
      %cond3A_251 = arith.constant 0 : i32
      %cond3A_252 = arith.cmpi ne, %convert_element_type3A_250, %cond3A_251 : i32
      scf.if %cond3A_252 {
        %add3A_256 = arith.constant 3 : i32
        %add3A_257 = arith.addi %add3A_210, %add3A_256 : i32
        %sub3A_258 = arith.constant 1 : i32
        %sub3A_259 = arith.subi %add3A_257, %sub3A_258 : i32
        %mul3A_260 = arith.constant 320 : i32
        %mul3A_261 = arith.muli %sub3A_259, %mul3A_260 : i32
        %add3A_262 = arith.constant 0 : i32
        %add3A_263 = arith.addi %mul3A_261, %add3A_262 : i32
        %mul3A_264 = arith.constant 320 : i32
        %mul3A_265 = arith.muli %sub3A_259, %mul3A_264 : i32
        %add3A_266 = arith.constant 128 : i32
        %add3A_267 = arith.addi %mul3A_265, %add3A_266 : i32
        %mul3A_268 = arith.constant 320 : i32
        %mul3A_269 = arith.muli %sub3A_259, %mul3A_268 : i32
        %add3A_270 = arith.constant 256 : i32
        %add3A_271 = arith.addi %mul3A_269, %add3A_270 : i32
        %dma_start3A_272 = arith.constant 0 : i32
        %dma_start3A_273 = arith.constant 0 : i32
        %dma_start3A_274 = tpu.memref_slice %arg7[%dma_start3A_272, %dma_start3A_273] : memref<320x128xf32, #tpu.memory_space<vmem>> -> memref<128x128xf32, #tpu.memory_space<vmem>>
        %dma_start3A_275 = tpu.memref_slice %arg5[%add3A_263] : memref<6400xi32, #tpu.memory_space<vmem>> -> memref<128xi32, #tpu.memory_space<vmem>>
        %dma_start3A_276 = arith.constant 0 : i32
        %dma_start3A_277 = arith.constant 0 : i32
        %dma_start3A_278 = tpu.memref_slice %arg2[%dma_start3A_276, %dma_start3A_277] : memref<100000x128xf32, #tpu.memory_space<hbm>> -> memref<100000x128xf32, #tpu.memory_space<hbm>>
        tpu.enqueue_indirect_dma source(%dma_start3A_278 : memref<100000x128xf32, #tpu.memory_space<hbm>>) target(%dma_start3A_274 : memref<128x128xf32, #tpu.memory_space<vmem>>) offsets(%dma_start3A_275 : memref<128xi32, #tpu.memory_space<vmem>>) semaphore(%arg10 : memref<!tpu.dma_semaphore, #tpu.memory_space<semaphore_mem>>)
        %dma_start3A_279 = arith.constant 128 : i32
        %dma_start3A_280 = arith.constant 0 : i32
        %dma_start3A_281 = tpu.memref_slice %arg7[%dma_start3A_279, %dma_start3A_280] : memref<320x128xf32, #tpu.memory_space<vmem>> -> memref<128x128xf32, #tpu.memory_space<vmem>>
        %dma_start3A_282 = tpu.memref_slice %arg5[%add3A_267] : memref<6400xi32, #tpu.memory_space<vmem>> -> memref<128xi32, #tpu.memory_space<vmem>>
        %dma_start3A_283 = arith.constant 0 : i32
        %dma_start3A_284 = arith.constant 0 : i32
        %dma_start3A_285 = tpu.memref_slice %arg2[%dma_start3A_283, %dma_start3A_284] : memref<100000x128xf32, #tpu.memory_space<hbm>> -> memref<100000x128xf32, #tpu.memory_space<hbm>>
        tpu.enqueue_indirect_dma source(%dma_start3A_285 : memref<100000x128xf32, #tpu.memory_space<hbm>>) target(%dma_start3A_281 : memref<128x128xf32, #tpu.memory_space<vmem>>) offsets(%dma_start3A_282 : memref<128xi32, #tpu.memory_space<vmem>>) semaphore(%arg10 : memref<!tpu.dma_semaphore, #tpu.memory_space<semaphore_mem>>)
        %dma_start3A_286 = arith.constant 256 : i32
        %dma_start3A_287 = arith.constant 0 : i32
        %dma_start3A_288 = tpu.memref_slice %arg7[%dma_start3A_286, %dma_start3A_287] : memref<320x128xf32, #tpu.memory_space<vmem>> -> memref<64x128xf32, #tpu.memory_space<vmem>>
        %dma_start3A_289 = tpu.memref_slice %arg5[%add3A_271] : memref<6400xi32, #tpu.memory_space<vmem>> -> memref<64xi32, #tpu.memory_space<vmem>>
        %dma_start3A_290 = arith.constant 0 : i32
        %dma_start3A_291 = arith.constant 0 : i32
        %dma_start3A_292 = tpu.memref_slice %arg2[%dma_start3A_290, %dma_start3A_291] : memref<100000x128xf32, #tpu.memory_space<hbm>> -> memref<100000x128xf32, #tpu.memory_space<hbm>>
        tpu.enqueue_indirect_dma source(%dma_start3A_292 : memref<100000x128xf32, #tpu.memory_space<hbm>>) target(%dma_start3A_288 : memref<64x128xf32, #tpu.memory_space<vmem>>) offsets(%dma_start3A_289 : memref<64xi32, #tpu.memory_space<vmem>>) semaphore(%arg10 : memref<!tpu.dma_semaphore, #tpu.memory_space<semaphore_mem>>)
      } else {
      }
      %add3A_253 = arith.addi %mul3A_2, %add3A_210 : i32
      %mul3A_254 = arith.constant 320 : i32
      %mul3A_255 = arith.muli %add3A_253, %mul3A_254 : i32
      "tpu.region"() ({
        %run_scoped3A = tpu.sem_alloc : memref<!tpu.dma_semaphore, #tpu.memory_space<semaphore_mem>>
        %dma_start3A_256 = arith.constant 0 : i32
        %dma_start3A_257 = tpu.memref_slice %arg4[%mul3A_255, %dma_start3A_256] : memref<204800x128xf32, #tpu.memory_space<hbm>> -> memref<320x128xf32, #tpu.memory_space<hbm>>
        %dma_start3A_258 = arith.constant 0 : i32
        %dma_start3A_259 = tpu.memref_slice %arg4[%mul3A_255, %dma_start3A_258] : memref<204800x128xf32, #tpu.memory_space<hbm>> -> memref<320x128xf32, #tpu.memory_space<hbm>>
        tpu.enqueue_dma source(%arg8 : memref<320x128xf32, #tpu.memory_space<vmem>>) target(%dma_start3A_259 : memref<320x128xf32, #tpu.memory_space<hbm>>) target_semaphore(%run_scoped3A : memref<!tpu.dma_semaphore, #tpu.memory_space<semaphore_mem>>)
        %dma_wait3A_260 = arith.constant 0 : i32
        %dma_wait3A_261 = tpu.memref_slice %arg4[%mul3A_255, %dma_wait3A_260] : memref<204800x128xf32, #tpu.memory_space<hbm>> -> memref<320x128xf32, #tpu.memory_space<hbm>>
        %dma_wait3A_262 = arith.constant 0 : i32
        %dma_wait3A_263 = tpu.memref_slice %arg4[%mul3A_255, %dma_wait3A_262] : memref<204800x128xf32, #tpu.memory_space<hbm>> -> memref<320x128xf32, #tpu.memory_space<hbm>>
        tpu.wait_dma2 semaphore(%run_scoped3A : memref<!tpu.dma_semaphore, #tpu.memory_space<semaphore_mem>>) src(%arg8 : memref<320x128xf32, #tpu.memory_space<vmem>>) dst(%dma_wait3A_263 : memref<320x128xf32, #tpu.memory_space<hbm>>)
        tpu.yield
      }) : () -> ()
    }
    %scan3A_56 = arith.constant 6 : i32
    %dma_wait3A = arith.constant 0 : i32
    %dma_wait3A_57 = arith.constant 0 : i32
    %dma_wait3A_58 = tpu.memref_slice %arg6[%dma_wait3A, %dma_wait3A_57] : memref<320x128xf32, #tpu.memory_space<vmem>> -> memref<128x128xf32, #tpu.memory_space<vmem>>
    %dma_wait3A_59 = arith.constant 5760 : i32
    %dma_wait3A_60 = tpu.memref_slice %arg5[%dma_wait3A_59] : memref<6400xi32, #tpu.memory_space<vmem>> -> memref<128xi32, #tpu.memory_space<vmem>>
    %dma_wait3A_61 = arith.constant 0 : i32
    %dma_wait3A_62 = arith.constant 0 : i32
    %dma_wait3A_63 = tpu.memref_slice %arg2[%dma_wait3A_61, %dma_wait3A_62] : memref<100000x128xf32, #tpu.memory_space<hbm>> -> memref<100000x128xf32, #tpu.memory_space<hbm>>
    tpu.wait_indirect_dma semaphore(%arg9 : memref<!tpu.dma_semaphore, #tpu.memory_space<semaphore_mem>>) src(%dma_wait3A_63 : memref<100000x128xf32, #tpu.memory_space<hbm>>) dst(%dma_wait3A_58 : memref<128x128xf32, #tpu.memory_space<vmem>>)
    %dma_wait3A_64 = arith.constant 128 : i32
    %dma_wait3A_65 = arith.constant 0 : i32
    %dma_wait3A_66 = tpu.memref_slice %arg6[%dma_wait3A_64, %dma_wait3A_65] : memref<320x128xf32, #tpu.memory_space<vmem>> -> memref<128x128xf32, #tpu.memory_space<vmem>>
    %dma_wait3A_67 = arith.constant 5888 : i32
    %dma_wait3A_68 = tpu.memref_slice %arg5[%dma_wait3A_67] : memref<6400xi32, #tpu.memory_space<vmem>> -> memref<128xi32, #tpu.memory_space<vmem>>
    %dma_wait3A_69 = arith.constant 0 : i32
    %dma_wait3A_70 = arith.constant 0 : i32
    %dma_wait3A_71 = tpu.memref_slice %arg2[%dma_wait3A_69, %dma_wait3A_70] : memref<100000x128xf32, #tpu.memory_space<hbm>> -> memref<100000x128xf32, #tpu.memory_space<hbm>>
    tpu.wait_indirect_dma semaphore(%arg9 : memref<!tpu.dma_semaphore, #tpu.memory_space<semaphore_mem>>) src(%dma_wait3A_71 : memref<100000x128xf32, #tpu.memory_space<hbm>>) dst(%dma_wait3A_66 : memref<128x128xf32, #tpu.memory_space<vmem>>)
    %dma_wait3A_72 = arith.constant 256 : i32
    %dma_wait3A_73 = arith.constant 0 : i32
    %dma_wait3A_74 = tpu.memref_slice %arg6[%dma_wait3A_72, %dma_wait3A_73] : memref<320x128xf32, #tpu.memory_space<vmem>> -> memref<64x128xf32, #tpu.memory_space<vmem>>
    %dma_wait3A_75 = arith.constant 6016 : i32
    %dma_wait3A_76 = tpu.memref_slice %arg5[%dma_wait3A_75] : memref<6400xi32, #tpu.memory_space<vmem>> -> memref<64xi32, #tpu.memory_space<vmem>>
    %dma_wait3A_77 = arith.constant 0 : i32
    %dma_wait3A_78 = arith.constant 0 : i32
    %dma_wait3A_79 = tpu.memref_slice %arg2[%dma_wait3A_77, %dma_wait3A_78] : memref<100000x128xf32, #tpu.memory_space<hbm>> -> memref<100000x128xf32, #tpu.memory_space<hbm>>
    tpu.wait_indirect_dma semaphore(%arg9 : memref<!tpu.dma_semaphore, #tpu.memory_space<semaphore_mem>>) src(%dma_wait3A_79 : memref<100000x128xf32, #tpu.memory_space<hbm>>) dst(%dma_wait3A_74 : memref<64x128xf32, #tpu.memory_space<vmem>>)
    %add3A_80 = arith.constant 18 : i32
    %add3A_81 = arith.addi %mul3A_2, %add3A_80 : i32
    %mul3A_82 = arith.constant 320 : i32
    %mul3A_83 = arith.muli %add3A_81, %mul3A_82 : i32
    "tpu.region"() ({
      %run_scoped3A = tpu.sem_alloc : memref<!tpu.dma_semaphore, #tpu.memory_space<semaphore_mem>>
      %dma_start3A_112 = arith.constant 0 : i32
      %dma_start3A_113 = tpu.memref_slice %arg4[%mul3A_83, %dma_start3A_112] : memref<204800x128xf32, #tpu.memory_space<hbm>> -> memref<320x128xf32, #tpu.memory_space<hbm>>
      %dma_start3A_114 = arith.constant 0 : i32
      %dma_start3A_115 = tpu.memref_slice %arg4[%mul3A_83, %dma_start3A_114] : memref<204800x128xf32, #tpu.memory_space<hbm>> -> memref<320x128xf32, #tpu.memory_space<hbm>>
      tpu.enqueue_dma source(%arg6 : memref<320x128xf32, #tpu.memory_space<vmem>>) target(%dma_start3A_115 : memref<320x128xf32, #tpu.memory_space<hbm>>) target_semaphore(%run_scoped3A : memref<!tpu.dma_semaphore, #tpu.memory_space<semaphore_mem>>)
      %dma_wait3A_116 = arith.constant 0 : i32
      %dma_wait3A_117 = tpu.memref_slice %arg4[%mul3A_83, %dma_wait3A_116] : memref<204800x128xf32, #tpu.memory_space<hbm>> -> memref<320x128xf32, #tpu.memory_space<hbm>>
      %dma_wait3A_118 = arith.constant 0 : i32
      %dma_wait3A_119 = tpu.memref_slice %arg4[%mul3A_83, %dma_wait3A_118] : memref<204800x128xf32, #tpu.memory_space<hbm>> -> memref<320x128xf32, #tpu.memory_space<hbm>>
      tpu.wait_dma2 semaphore(%run_scoped3A : memref<!tpu.dma_semaphore, #tpu.memory_space<semaphore_mem>>) src(%arg6 : memref<320x128xf32, #tpu.memory_space<vmem>>) dst(%dma_wait3A_119 : memref<320x128xf32, #tpu.memory_space<hbm>>)
      tpu.yield
    }) : () -> ()
    %dma_wait3A_84 = arith.constant 0 : i32
    %dma_wait3A_85 = arith.constant 0 : i32
    %dma_wait3A_86 = tpu.memref_slice %arg7[%dma_wait3A_84, %dma_wait3A_85] : memref<320x128xf32, #tpu.memory_space<vmem>> -> memref<128x128xf32, #tpu.memory_space<vmem>>
    %dma_wait3A_87 = arith.constant 6080 : i32
    %dma_wait3A_88 = tpu.memref_slice %arg5[%dma_wait3A_87] : memref<6400xi32, #tpu.memory_space<vmem>> -> memref<128xi32, #tpu.memory_space<vmem>>
    %dma_wait3A_89 = arith.constant 0 : i32
    %dma_wait3A_90 = arith.constant 0 : i32
    %dma_wait3A_91 = tpu.memref_slice %arg2[%dma_wait3A_89, %dma_wait3A_90] : memref<100000x128xf32, #tpu.memory_space<hbm>> -> memref<100000x128xf32, #tpu.memory_space<hbm>>
    tpu.wait_indirect_dma semaphore(%arg10 : memref<!tpu.dma_semaphore, #tpu.memory_space<semaphore_mem>>) src(%dma_wait3A_91 : memref<100000x128xf32, #tpu.memory_space<hbm>>) dst(%dma_wait3A_86 : memref<128x128xf32, #tpu.memory_space<vmem>>)
    %dma_wait3A_92 = arith.constant 128 : i32
    %dma_wait3A_93 = arith.constant 0 : i32
    %dma_wait3A_94 = tpu.memref_slice %arg7[%dma_wait3A_92, %dma_wait3A_93] : memref<320x128xf32, #tpu.memory_space<vmem>> -> memref<128x128xf32, #tpu.memory_space<vmem>>
    %dma_wait3A_95 = arith.constant 6208 : i32
    %dma_wait3A_96 = tpu.memref_slice %arg5[%dma_wait3A_95] : memref<6400xi32, #tpu.memory_space<vmem>> -> memref<128xi32, #tpu.memory_space<vmem>>
    %dma_wait3A_97 = arith.constant 0 : i32
    %dma_wait3A_98 = arith.constant 0 : i32
    %dma_wait3A_99 = tpu.memref_slice %arg2[%dma_wait3A_97, %dma_wait3A_98] : memref<100000x128xf32, #tpu.memory_space<hbm>> -> memref<100000x128xf32, #tpu.memory_space<hbm>>
    tpu.wait_indirect_dma semaphore(%arg10 : memref<!tpu.dma_semaphore, #tpu.memory_space<semaphore_mem>>) src(%dma_wait3A_99 : memref<100000x128xf32, #tpu.memory_space<hbm>>) dst(%dma_wait3A_94 : memref<128x128xf32, #tpu.memory_space<vmem>>)
    %dma_wait3A_100 = arith.constant 256 : i32
    %dma_wait3A_101 = arith.constant 0 : i32
    %dma_wait3A_102 = tpu.memref_slice %arg7[%dma_wait3A_100, %dma_wait3A_101] : memref<320x128xf32, #tpu.memory_space<vmem>> -> memref<64x128xf32, #tpu.memory_space<vmem>>
    %dma_wait3A_103 = arith.constant 6336 : i32
    %dma_wait3A_104 = tpu.memref_slice %arg5[%dma_wait3A_103] : memref<6400xi32, #tpu.memory_space<vmem>> -> memref<64xi32, #tpu.memory_space<vmem>>
    %dma_wait3A_105 = arith.constant 0 : i32
    %dma_wait3A_106 = arith.constant 0 : i32
    %dma_wait3A_107 = tpu.memref_slice %arg2[%dma_wait3A_105, %dma_wait3A_106] : memref<100000x128xf32, #tpu.memory_space<hbm>> -> memref<100000x128xf32, #tpu.memory_space<hbm>>
    tpu.wait_indirect_dma semaphore(%arg10 : memref<!tpu.dma_semaphore, #tpu.memory_space<semaphore_mem>>) src(%dma_wait3A_107 : memref<100000x128xf32, #tpu.memory_space<hbm>>) dst(%dma_wait3A_102 : memref<64x128xf32, #tpu.memory_space<vmem>>)
    %add3A_108 = arith.constant 19 : i32
    %add3A_109 = arith.addi %mul3A_2, %add3A_108 : i32
    %mul3A_110 = arith.constant 320 : i32
    %mul3A_111 = arith.muli %add3A_109, %mul3A_110 : i32
    "tpu.region"() ({
      %run_scoped3A = tpu.sem_alloc : memref<!tpu.dma_semaphore, #tpu.memory_space<semaphore_mem>>
      %dma_start3A_112 = arith.constant 0 : i32
      %dma_start3A_113 = tpu.memref_slice %arg4[%mul3A_111, %dma_start3A_112] : memref<204800x128xf32, #tpu.memory_space<hbm>> -> memref<320x128xf32, #tpu.memory_space<hbm>>
      %dma_start3A_114 = arith.constant 0 : i32
      %dma_start3A_115 = tpu.memref_slice %arg4[%mul3A_111, %dma_start3A_114] : memref<204800x128xf32, #tpu.memory_space<hbm>> -> memref<320x128xf32, #tpu.memory_space<hbm>>
      tpu.enqueue_dma source(%arg7 : memref<320x128xf32, #tpu.memory_space<vmem>>) target(%dma_start3A_115 : memref<320x128xf32, #tpu.memory_space<hbm>>) target_semaphore(%run_scoped3A : memref<!tpu.dma_semaphore, #tpu.memory_space<semaphore_mem>>)
      %dma_wait3A_116 = arith.constant 0 : i32
      %dma_wait3A_117 = tpu.memref_slice %arg4[%mul3A_111, %dma_wait3A_116] : memref<204800x128xf32, #tpu.memory_space<hbm>> -> memref<320x128xf32, #tpu.memory_space<hbm>>
      %dma_wait3A_118 = arith.constant 0 : i32
      %dma_wait3A_119 = tpu.memref_slice %arg4[%mul3A_111, %dma_wait3A_118] : memref<204800x128xf32, #tpu.memory_space<hbm>> -> memref<320x128xf32, #tpu.memory_space<hbm>>
      tpu.wait_dma2 semaphore(%run_scoped3A : memref<!tpu.dma_semaphore, #tpu.memory_space<semaphore_mem>>) src(%arg7 : memref<320x128xf32, #tpu.memory_space<vmem>>) dst(%dma_wait3A_119 : memref<320x128xf32, #tpu.memory_space<hbm>>)
      tpu.yield
    }) : () -> ()
    return
  }
}

</mosaic_0001>

<sc_bundles>
// kernel: kernel.3.cloned.1.call-start
scs
__scs_entry_jumppad:
0x0: {  	(pc) =	sbr.rel $0x88, $3  }
0x1: {  	(tag) =	ssettag $0x0;
	lr =	simm.s32 $0x1  }
0x2: {  	[smem:$0x3F9F] =	sst lr;
	_ =	strace $0xD0000000  }
0x3: {  	_ = 	snop  }
0x4: {  	_ = 	snop  }
0x5: {  	_ = 	snop  }
0x6: {  	_ = 	snop  }
0x7: {  	_ = 	snop  }
__scs_overlays_trampoline_lowered:
0x8: {  	[smem:$0x3FAE] =	sst s0  }
0x9: {  	[smem:$0x3FAF] =	sst s1  }
0xa: {  	[smem:$0x3FB0] =	sst s2  }
0xb: {  	[smem:$0x3FB1] =	sst s3  }
0xc: {  	[smem:$0x3FB2] =	sst s4  }
0xd: {  	[smem:$0x3FB3] =	sst s5  }
0xe: {  	[smem:$0x3FB4] =	sst s6  }
0xf: {  	[smem:$0x3FB5] =	sst s7  }
0x10: {  	[smem:$0x3FB6] =	sst s8  }
0x11: {  	[smem:$0x3FB7] =	sst s9;
	s0 =	simm.s32 @!p0 $0x0  }
0x12: {  	s1 =	sld [smem:$0x3F9D];
	s0 =	simm.s32 @p0 $0x1  }
0x13: {  	[smem:$0x3FB8] =	sst s0;
	s0 =	simm.s32 @!p1 $0x0  }
0x14: {  	s2 =	sld [smem:$0x3F9C];
	s0 =	simm.s32 @p1 $0x1  }
0x15: {  	[smem:$0x3FB9] =	sst s0;
	s0 =	simm.s32 @!p2 $0x0  }
0x16: {  	s3 =	sld [smem:$0x3FDB];
	s0 =	simm.s32 @p2 $0x1  }
0x17: {  	s4 =	simm.s32 $0x1BF5;
	[smem:$0x3FBB] =	sst s0  }
0x18: {  	s0 =	sld [smem:$0x3F9E];
	_ =	swait.ge [sflag:s4], $0x0  }
0x19: {  	s7 =	sld [smem:$0x3F9F]  }
0x1a: {  	s8 =	sadd.s32 $0xFFFFE003, lr  }
0x1b: {  	s9 =	sadd.s32 $0xFFFFFEF7, lr;
	s5 =	simm.s32 $0xFFFFFFFF;
	p2 =	slt.u32 s8, $0xFFFFF086  }
0x1c: {  	p1 =	slt.u32 s9, $0xF7A;
	s5 =	simm.s32 @!p2 $0x0  }
0x1d: {  	s5 =	simm.s32 @p1 $0x1;
	p0 =	seq.s32 s7, s2  }
0x1e: {  	s7 =	smul.u32 @!p0 $0xF7A, s2;
	p2 =	seq.s32 @!p0 s5, $0x0  }
0x1f: {  	s9 =	smul.u32 $0xF7A, s1;
	s8 =	simm.s32 @!p0 $0x1BF5;
	p2 =	por !p2, p0  }
0x20: {  	[sflag:s8] =	ssyncset.s32 @!p0 $0xFFFFF086;
	s6 =	sadd.s32 @!p0 s3, s7;
	s7 =	simm.s32 @!p0 $0x108  }
0x21: {  	s3 =	sadd.s32 s3, s9;
	s6 =	sadd.s32 @!p0 $0x88, s6;
	s7 =	simm.s32 @p2 $0x1082  }
0x22: {  	[simem:s7], [sflag:s8] =	dma.local @!p0 [hbm:s6], $0xF7A  }
0x23: {  	s9 =	sor.u32 $0xD0000000, s2;
	s6 =	simm.s32 $0x108;
	_ =	swait.ge @!p0 [sflag:s8], $0x0  }
0x24: {  	s3 =	sadd.s32 $0x88, s3;
	s6 =	simm.s32 @!p1 $0x1082;
	[sflag:s4] =	ssyncset.s32 $0xFFFFF086  }
0x25: {  	[simem:s6], [sflag:s4] =	dma.local [hbm:s3], $0xF7A  }
0x26: {  	[smem:$0x3F9F] =	sst s1;
	(tag) =	ssettag s2;
	_ =	strace s9  }
0x27: {  	s1 =	sld [smem:$0x3FAF]  }
0x28: {  	s2 =	sld [smem:$0x3FB0]  }
0x29: {  	s4 =	sld [smem:$0x3FB2]  }
0x2a: {  	p0 =	seq.s32 s5, $0x0;
	s5 =	sld [smem:$0x3FB3]  }
0x2b: {  	s6 =	sld [smem:$0x3FB4]  }
0x2c: {  	s7 =	sld [smem:$0x3FB5]  }
0x2d: {  	s3 =	simm.s32 $0x108;
	s8 =	sld [smem:$0x3FB6]  }
0x2e: {  	s3 =	simm.s32 @!p0 $0x1082;
	s9 =	sld [smem:$0x3FB7]  }
0x2f: {  	lr =	sadd.s32 s0, s3;
	s0 =	sld [smem:$0x3FAE]  }
0x30: {  	s3 =	sld [smem:$0x3FB1]  }
0x31: {  	[smem:$0x3FBA] =	sst s10  }
0x32: {  	s10 =	sld [smem:$0x3FB8];
	_ =	sdelay $0x3  }
0x33: {  	p0 =	seq.s32 s10, $0x1;
	s10 =	sld [smem:$0x3FBA];
	_ =	sdelay $0x3  }
0x34: {  	[smem:$0x3FBA] =	sst s10  }
0x35: {  	s10 =	sld [smem:$0x3FB9];
	_ =	sdelay $0x3  }
0x36: {  	p1 =	seq.s32 s10, $0x1;
	s10 =	sld [smem:$0x3FBA];
	_ =	sdelay $0x3  }
0x37: {  	[smem:$0x3FBA] =	sst s10  }
0x38: {  	s10 =	sld [smem:$0x3FBB]  }
0x39: {  	_ = 	snop;
	(pc) =	sbr.ind lr, $3  }
0x3a: {  	_ = 	snop  }
0x3b: {  	_ = 	snop  }
0x3c: {  	p2 =	seq.s32 s10, $0x1;
	s10 =	sld [smem:$0x3FBA]  }
0x3d: {  	_ =	shalt  }
0x3e: {  	_ =	shalt  }
0x3f: {  	_ =	shalt  }
0x40: {  	_ =	shalt  }
0x41: {  	_ =	shalt  }
0x42: {  	_ =	shalt  }
0x43: {  	_ =	shalt  }
0x44: {  	_ =	shalt  }
0x45: {  	_ =	shalt  }
0x46: {  	_ =	shalt  }
0x47: {  	_ =	shalt  }
0x48: {  	_ =	shalt  }
0x49: {  	_ =	shalt  }
0x4a: {  	_ =	shalt  }
0x4b: {  	_ =	shalt  }
0x4c: {  	_ =	shalt  }
0x4d: {  	_ =	shalt  }
0x4e: {  	_ =	shalt  }
0x4f: {  	_ =	shalt  }
0x50: {  	_ =	shalt  }
0x51: {  	_ =	shalt  }
0x52: {  	_ =	shalt  }
0x53: {  	_ =	shalt  }
0x54: {  	_ =	shalt  }
0x55: {  	_ =	shalt  }
0x56: {  	_ =	shalt  }
0x57: {  	_ =	shalt  }
0x58: {  	_ =	shalt  }
0x59: {  	_ =	shalt  }
0x5a: {  	_ =	shalt  }
0x5b: {  	_ =	shalt  }
0x5c: {  	_ =	shalt  }
0x5d: {  	_ =	shalt  }
0x5e: {  	_ =	shalt  }
0x5f: {  	_ =	shalt  }
0x60: {  	_ =	shalt  }
0x61: {  	_ =	shalt  }
0x62: {  	_ =	shalt  }
0x63: {  	_ =	shalt  }
0x64: {  	_ =	shalt  }
0x65: {  	_ =	shalt  }
0x66: {  	_ =	shalt  }
0x67: {  	_ =	shalt  }
0x68: {  	_ =	shalt  }
0x69: {  	_ =	shalt  }
0x6a: {  	_ =	shalt  }
0x6b: {  	_ =	shalt  }
0x6c: {  	_ =	shalt  }
0x6d: {  	_ =	shalt  }
0x6e: {  	_ =	shalt  }
0x6f: {  	_ =	shalt  }
0x70: {  	_ =	shalt  }
0x71: {  	_ =	shalt  }
0x72: {  	_ =	shalt  }
0x73: {  	_ =	shalt  }
0x74: {  	_ =	shalt  }
0x75: {  	_ =	shalt  }
0x76: {  	_ =	shalt  }
0x77: {  	_ =	shalt  }
0x78: {  	_ =	shalt  }
0x79: {  	_ =	shalt  }
0x7a: {  	_ =	shalt  }
0x7b: {  	_ =	shalt  }
0x7c: {  	_ =	shalt  }
0x7d: {  	_ =	shalt  }
0x7e: {  	_ =	shalt  }
0x7f: {  	_ =	shalt  }
0x80: {  	_ =	shalt  }
0x81: {  	_ =	shalt  }
0x82: {  	_ =	shalt  }
0x83: {  	_ =	shalt  }
0x84: {  	_ =	shalt  }
0x85: {  	_ =	shalt  }
0x86: {  	_ =	shalt  }
0x87: {  	_ =	shalt  }
.Lfunc_end0:
.L_simem_size_0:
called_computation_lowered:
.L_overlay_start_0:
0x88: {  	s2 =	sld [smem:$0x3FD9]  }
0x89: {  	s3 =	sld [smem:$0x3FFE];
	_ =	sdelay $0x1  }
0x8a: {  	s1 =	srdreg.scid  }
0x8b: {  	s0 =	sand.u32 $0x1, s1  }
0x8c: {  	s17 =	sshll.u32 s0, $0xA;
	s2 =	sadd.s32 s3, s2  }
0x8d: {  	s2 =	sadd.s32 s2, s17  }
0x8e: {  	[smem:$0x3FC6] =	sst s2  }
0x8f: {  	_ = 	snop  }
0x90: {  	s2 =	sld [smem:$0x3FC8]  }
0x91: {  	s18 =	sld [smem:$0x3FD0];
	(tm) =	ssettm $0x1  }
0x92: {  	s4 =	sld [smem:$0x3FFB];
	_ =	sdelay $0x3  }
0x93: {  	_ =	strace s4  }
0x94: {  	s4 =	sld [smem:$0x3FFC];
	_ =	sdelay $0x3  }
0x95: {  	_ =	strace s4  }
0x96: {  	s4 =	sld [smem:$0x3FFD];
	_ =	sdelay $0x3  }
0x97: {  	_ =	strace s4  }
0x98: {  	_ =	strace $0x8FFFFFFF  }
0x99: {  	s19 =	sld [smem:$0x3FDB];
	_ =	sdelay $0x1  }
0x9a: {  	s5 =	simm.s32 $_scs_section_size  }
0x9b: {  	s6 =	simm.s32 $_size__tile_overlayer_lowered;
	s7 =	simm.s32 $_tile_overlayer_lowered  }
0x9c: {  	s22 =	simm.s32 $0x1BFF;
	s21 =	sshll.u32 s7, $0x1;
	s4 =	sadd.s32 s5, s19  }
0x9d: {  	s8 =	simm.s32 $0x0;
	s20 =	sshll.u32 s6, $0x1;
	s6 =	sadd.s32 s21, s4  }
0x9e: {  	[timem:s8], [sflag:s22] =	dma.local [hbm:s6], s20  }
0x9f: {  	_ =	swait.ge [sflag:s22], s20  }
0xa0: {  	s5 =	ssub.s32 $0x0, s20;
	[sflag:s22] =	ssyncset.done $0x0  }
0xa1: {  	[sflag:s22] =	ssyncadd.s32 s5;
	_ =	sdelay $0x1  }
0xa2: {  	s23 =	simm.s32 $0x1B8B  }
0xa3: {  	_ =	swait.ge [sflag:s23], $0x1  }
0xa4: {  	[sflag:s23] =	ssyncset.done $0x0  }
0xa5: {  	s25 =	simm.s32 $0x1B8E;
	s24 =	sld [smem:$0x3FFE];
	[sflag:s23] =	ssyncadd.s32 $0xFFFFFFFF  }
0xa6: {  	s26 =	simm.s32 $execute0_lowered;
	[smem:$0x3FD2] =	sst s25  }
0xa7: {  	s6 =	sshll.u32 s26, $0x1;
	_ =	strace $0x80000046;
	[dreg:$0x1] =	wrdreg $0xFFFFFFFF  }
0xa8: {  	s28 =	simm.s32 $_size_execute0_lowered;
	s4 =	sadd.s32 s4, s6;
	[dreg:$0x0] =	wrdreg $0x0  }
0xa9: {  	s6 =	sshll.u32 s28, $0x1;
	[dreg:$0x2] =	wrdreg s4  }
0xaa: {  	[dreg:$0x3] =	wrdreg s6  }
0xab: {  	[dreg:$0x4] =	wrdreg $0xC0  }
0xac: {  	_ =	task [dreg:s8], $0x5FFFF  }
0xad: {  	[dreg:$0x1] =	wrdreg $0xFFFFFFFF  }
0xae: {  	[dreg:$0x0] =	wrdreg $0x60  }
0xaf: {  	[dreg:$0x2] =	wrdreg s2  }
0xb0: {  	[dreg:$0x3] =	wrdreg s24  }
0xb1: {  	[dreg:$0x4] =	wrdreg s18  }
0xb2: {  	[dreg:$0x5] =	wrdreg $0x9  }
0xb3: {  	_ =	task.clear_ibuf [dreg:s8], $0x6FFFF;
	_ =	strace $0x90000046  }
0xb4: {  	s29 =	simm.s32 $0x9;
	_ =	strace $0x80000048  }
0xb5: {  	_ =	swait.ge [sflag:s29], $0x1  }
0xb6: {  	[sflag:s29] =	ssyncadd.s32 $0xFFFFFFFF  }
0xb7: {  	_ =	strace $0x90000048  }
0xb8: {  	_ =	sfence  }
0xb9: {  	s30 =	sld [smem:$0x0];
	_ =	sdelay $0x2  }
0xba: {  	s31 =	sshll.u32 s1, $0xD;
	s1 =	sshrl.u32 s1, $0x2  }
0xbb: {  	s3 =	sand.u32 $0x4000, s31;
	s1 =	sadd.s32 s1, s30  }
0xbc: {  	s0 =	sor.u32 s3, s0;
	s1 =	sshll.u32 s1, $0x11  }
0xbd: {  	s0 =	sor.u32 s1, s0  }
0xbe: {  	s0 =	sadd.s32 $0x8F2B, s0  }
0xbf: {  	[sflag:s0] =	ssyncadd.remote.s32 $0x1  }
0xc0: {  	_ =	sfence.sel $0xFFFF  }
0xc1: {  	[dreg:$0x0] =	wrdreg $0xFFFFFFFF;
	(pc) =	sbr.abs _section_cstart, $3  }
0xc2: {  	[dreg:$0x1] =	wrdreg $0xFFFFFFFF  }
0xc3: {  	_ =	task.clear_ibuf [dreg:s8], $0x2FFFF;
	_ =	strace $0x9FFFFFFF  }
0xc4: {  	(tm) =	ssettm $0x7FFFFFFF  }
0xc5: {  	_ =	shalt  }
tec
execute0_lowered:
.L_overlay_start_1:
0x0: {  	(tag) =	ssettag $0x1  }
0x1: {  	s1 =	rddreg [dreg:$0x0]  }
0x2: {  	s4 =	rddreg [dreg:$0x1]  }
0x3: {  	s2 =	srdreg.scid;
	s0 =	stileid.u32  }
0x4: {  	s5 =	rddreg [dreg:$0x2];
	s3 =	simm.s32 $0x0;
	s11 =	simm.s32 $0x1900  }
0x5: {  	s12 =	simm.s32 $0x5900;
	s13 =	simm.s32 $0x40;
	s14 =	simm.s32 $0x100  }
0x6: {  	s15 =	simm.s32 $0x9900;
	s16 =	simm.s32 $0x140;
	s17 =	simm.s32 $0xB900  }
0x7: {  	s18 =	simm.s32 $0x1C0;
	s19 =	simm.s32 $0xF900;
	s20 =	simm.s32 $0x240  }
0x8: {  	s21 =	simm.s32 $0x13900;
	s22 =	simm.s32 $0x1;
	s24 =	simm.s32 $0x19900  }
0x9: {  	s23 =	simm.s32 $0x15900;
	s25 =	simm.s32 $0x2;
	s26 =	simm.s32 $0x3  }
0xa: {  	s6 =	sand.u32 $0x1, s2;
	s7 =	sshll.u32 s0, $0x1;
	s9 =	smul.u32 $0x32000, s0  }
0xb: {  	s7 =	sor.u32 s6, s7;
	s31 =	ssub.s32 $0x2, s6;
	s6 =	smul.u32 $0x19000, s6  }
0xc: {  	s28 =	simm.s32 $0x0;
	[smem:$0x7FF] =	sst s3;
	s8 =	smul.u32 $0x320, s7  }
0xd: {  	_ =	strace $0x80000047;
	[dreg:$0x4] =	wrdreg s24;
	s7 =	smul.u32 $0xC8000, s7  }
0xe: {  	s24 =	simm.s32 $0x1D900;
	s10 =	sshrl.u32 s31, $0x1;
	s9 =	sadd.s32 s9, s5  }
0xf: {  	s9 =	sadd.s32 s6, s9;
	s4 =	sadd.s32 s8, s4;
	s7 =	sshrl.u32 s7, $0x3  }
0x10: {  	s8 =	ssub.s32 s31, s10;
	s10 =	simm.s32 $0x80;
	s7 =	sadd.s32 s5, s7  }
0x11: {  	s4 =	sadd.s32 $0x400, s4;
	s5 =	sadd.s32 $0x16800, s7;
	s6 =	sadd.s32 $0x17C00, s7  }
0x12: {  	s7 =	smax.u32 s8, $0x1;
	s8 =	sadd.s32 $0x1400, s9;
	s9 =	simm.s32 $0x4  }
.LBB2_1:
0x13: {  	[tilespmem:s3], [sflag:$0x4] =	stream.linear.gather [hbm4b:s4+s3], $0x1900, $0x38;
	[tilespmem:$0x1F900] =	vst v63  }
0x14: {  	_ =	swait.ge [sflag:s9], $0x1900  }
0x15: {  	[sflag:s9] =	ssyncset.done $0x0  }
0x16: {  	[sflag:s9] =	ssyncadd.s32 $0xFFFFE700  }
0x17: {  	[tilespmem:s11], [sflag:$0x1] =	stream.indirect.gather [hbm4b:s1+s10], $0x80, s3, s10, $0xb8;
	[tilespmem:$0x1F900] =	vst v63  }
0x18: {  	_ = 	snop  }
0x19: {  	[tilespmem:s12], [sflag:$0x1] =	stream.indirect.gather [hbm4b:s1+s10], $0x80, s10, s10, $0xb8;
	[tilespmem:$0x1F900] =	vst v63  }
0x1a: {  	_ = 	snop  }
0x1b: {  	[tilespmem:s15], [sflag:$0x1] =	stream.indirect.gather [hbm4b:s1+s13], $0x80, s14, s13, $0xb8;
	[tilespmem:$0x1F900] =	vst v63  }
0x1c: {  	_ = 	snop  }
0x1d: {  	[tilespmem:s17], [sflag:$0x2] =	stream.indirect.gather [hbm4b:s1+s10], $0x80, s16, s10, $0xb8;
	[tilespmem:$0x1F900] =	vst v63  }
0x1e: {  	_ = 	snop  }
0x1f: {  	[tilespmem:s19], [sflag:$0x2] =	stream.indirect.gather [hbm4b:s1+s10], $0x80, s18, s10, $0xb8;
	[tilespmem:$0x1F900] =	vst v63  }
0x20: {  	_ = 	snop  }
0x21: {  	[tilespmem:s21], [sflag:$0x2] =	stream.indirect.gather [hbm4b:s1+s13], $0x80, s20, s13, $0xb8;
	[tilespmem:$0x1F900] =	vst v63  }
0x22: {  	_ =	swait.ge [sflag:s22], $0x4000  }
0x23: {  	[sflag:s22] =	ssyncset.done $0x0  }
0x24: {  	[sflag:s22] =	ssyncadd.s32 $0xFFFFC000  }
0x25: {  	_ =	swait.ge [sflag:s22], $0x4000  }
0x26: {  	[sflag:s22] =	ssyncset.done $0x0  }
0x27: {  	[sflag:s22] =	ssyncadd.s32 $0xFFFFC000  }
0x28: {  	_ =	swait.ge [sflag:s22], $0x2000  }
0x29: {  	[sflag:s22] =	ssyncset.done $0x0  }
0x2a: {  	s29 =	simm.s32 $0x280;
	[sflag:s22] =	ssyncadd.s32 $0xFFFFE000  }
0x2b: {  	[tilespmem:s23], [sflag:$0x3] =	stream.indirect.gather [hbm4b:s1+s10], $0x80, s29, s10, $0xb8;
	[tilespmem:$0x1F900] =	vst v63  }
0x2c: {  	s30 =	rddreg [dreg:$0x4];
	s29 =	simm.s32 $0x300  }
0x2d: {  	[tilespmem:s30], [sflag:$0x3] =	stream.indirect.gather [hbm4b:s1+s10], $0x80, s29, s10, $0xb8;
	[tilespmem:$0x1F900] =	vst v63  }
0x2e: {  	s29 =	simm.s32 $0x380  }
0x2f: {  	[tilespmem:s24], [sflag:$0x3] =	stream.indirect.gather [hbm4b:s1+s13], $0x80, s29, s13, $0xb8;
	[tilespmem:$0x1F900] =	vst v63  }
0x30: {  	s29 =	sadd.s32 $0xFFFFEC00, s8  }
0x31: {  	[hbm4b:s29+s3] =	stream.linear.scatter [tilespmem:s11], [sflag:$0x4], $0xA000, $0x38;
	[tilespmem:$0x1F900] =	vst v63  }
0x32: {  	_ =	swait.ge [sflag:s9], $0xA000  }
0x33: {  	[sflag:s9] =	ssyncset.done $0x0  }
0x34: {  	[sflag:s9] =	ssyncadd.s32 $0xFFFF6000  }
0x35: {  	_ =	swait.ge [sflag:s25], $0x4000  }
0x36: {  	[sflag:s25] =	ssyncset.done $0x0  }
0x37: {  	[sflag:s25] =	ssyncadd.s32 $0xFFFFC000  }
0x38: {  	_ =	swait.ge [sflag:s25], $0x4000  }
0x39: {  	[sflag:s25] =	ssyncset.done $0x0  }
0x3a: {  	[sflag:s25] =	ssyncadd.s32 $0xFFFFC000  }
0x3b: {  	_ =	swait.ge [sflag:s25], $0x2000  }
0x3c: {  	[sflag:s25] =	ssyncset.done $0x0  }
0x3d: {  	s29 =	simm.s32 $0x3C0;
	[sflag:s25] =	ssyncadd.s32 $0xFFFFE000  }
0x3e: {  	[tilespmem:s11], [sflag:$0x1] =	stream.indirect.gather [hbm4b:s1+s10], $0x80, s29, s10, $0xb8;
	[tilespmem:$0x1F900] =	vst v63  }
0x3f: {  	s29 =	simm.s32 $0x440  }
0x40: {  	[tilespmem:s12], [sflag:$0x1] =	stream.indirect.gather [hbm4b:s1+s10], $0x80, s29, s10, $0xb8;
	[tilespmem:$0x1F900] =	vst v63  }
0x41: {  	s29 =	simm.s32 $0x4C0  }
0x42: {  	[tilespmem:s15], [sflag:$0x1] =	stream.indirect.gather [hbm4b:s1+s13], $0x80, s29, s13, $0xb8;
	[tilespmem:$0x1F900] =	vst v63  }
0x43: {  	_ = 	snop  }
0x44: {  	[hbm4b:s8+s3] =	stream.linear.scatter [tilespmem:s17], [sflag:$0x4], $0xA000, $0x38;
	[tilespmem:$0x1F900] =	vst v63  }
0x45: {  	_ =	swait.ge [sflag:s9], $0xA000  }
0x46: {  	[sflag:s9] =	ssyncset.done $0x0  }
0x47: {  	[sflag:s9] =	ssyncadd.s32 $0xFFFF6000  }
0x48: {  	_ =	swait.ge [sflag:s26], $0x4000  }
0x49: {  	[sflag:s26] =	ssyncset.done $0x0  }
0x4a: {  	[sflag:s26] =	ssyncadd.s32 $0xFFFFC000  }
0x4b: {  	_ =	swait.ge [sflag:s26], $0x4000  }
0x4c: {  	[sflag:s26] =	ssyncset.done $0x0  }
0x4d: {  	[sflag:s26] =	ssyncadd.s32 $0xFFFFC000  }
0x4e: {  	_ =	swait.ge [sflag:s26], $0x2000  }
0x4f: {  	[sflag:s26] =	ssyncset.done $0x0  }
0x50: {  	s29 =	simm.s32 $0x500;
	[sflag:s26] =	ssyncadd.s32 $0xFFFFE000  }
0x51: {  	[tilespmem:s17], [sflag:$0x2] =	stream.indirect.gather [hbm4b:s1+s10], $0x80, s29, s10, $0xb8;
	[tilespmem:$0x1F900] =	vst v63  }
0x52: {  	s29 =	simm.s32 $0x580  }
0x53: {  	[tilespmem:s19], [sflag:$0x2] =	stream.indirect.gather [hbm4b:s1+s10], $0x80, s29, s10, $0xb8;
	[tilespmem:$0x1F900] =	vst v63  }
0x54: {  	s29 =	simm.s32 $0x600  }
0x55: {  	[tilespmem:s21], [sflag:$0x2] =	stream.indirect.gather [hbm4b:s1+s13], $0x80, s29, s13, $0xb8;
	[tilespmem:$0x1F900] =	vst v63  }
0x56: {  	s29 =	sadd.s32 $0x1400, s8  }
0x57: {  	[hbm4b:s29+s3] =	stream.linear.scatter [tilespmem:s23], [sflag:$0x4], $0xA000, $0x38;
	[tilespmem:$0x1F900] =	vst v63  }
0x58: {  	_ =	swait.ge [sflag:s9], $0xA000  }
0x59: {  	s30 =	smov.u32 s8;
	s29 =	simm.s32 $0xF00;
	[sflag:s9] =	ssyncset.done $0x0  }
.LBB2_2:
0x5a: {  	[sflag:s9] =	ssyncadd.s32 $0xFFFF6000  }
0x5b: {  	_ =	swait.ge [sflag:s22], $0x4000  }
0x5c: {  	[sflag:s22] =	ssyncset.done $0x0  }
0x5d: {  	[sflag:s22] =	ssyncadd.s32 $0xFFFFC000  }
0x5e: {  	_ =	swait.ge [sflag:s22], $0x4000  }
0x5f: {  	[sflag:s22] =	ssyncset.done $0x0  }
0x60: {  	[sflag:s22] =	ssyncadd.s32 $0xFFFFC000  }
0x61: {  	s31 =	smov.u32 s29;
	_ =	swait.ge [sflag:s22], $0x2000  }
0x62: {  	s31 =	sshra.s32 s31, $0x2;
	[sflag:s22] =	ssyncset.done $0x0  }
0x63: {  	s2 =	sadd.s32 $0x280, s31;
	[sflag:s22] =	ssyncadd.s32 $0xFFFFE000  }
0x64: {  	[tilespmem:s23], [sflag:$0x3] =	stream.indirect.gather [hbm4b:s1+s10], $0x80, s2, s10, $0xb8;
	[tilespmem:$0x1F900] =	vst v63  }
0x65: {  	s0 =	rddreg [dreg:$0x4];
	s2 =	sadd.s32 $0x300, s31  }
0x66: {  	[tilespmem:s0], [sflag:$0x3] =	stream.indirect.gather [hbm4b:s1+s10], $0x80, s2, s10, $0xb8;
	[tilespmem:$0x1F900] =	vst v63  }
0x67: {  	s30 =	sadd.s32 $0x3C00, s30;
	s2 =	sadd.s32 $0x380, s31  }
0x68: {  	[tilespmem:s24], [sflag:$0x3] =	stream.indirect.gather [hbm4b:s1+s13], $0x80, s2, s13, $0xb8;
	[tilespmem:$0x1F900] =	vst v63  }
0x69: {  	s2 =	sadd.s32 $0xFFFFEC00, s30  }
0x6a: {  	[hbm4b:s2+s3] =	stream.linear.scatter [tilespmem:s11], [sflag:$0x4], $0xA000, $0x38;
	[tilespmem:$0x1F900] =	vst v63  }
0x6b: {  	_ =	swait.ge [sflag:s9], $0xA000  }
0x6c: {  	[sflag:s9] =	ssyncset.done $0x0  }
0x6d: {  	[sflag:s9] =	ssyncadd.s32 $0xFFFF6000  }
0x6e: {  	_ =	swait.ge [sflag:s25], $0x4000  }
0x6f: {  	[sflag:s25] =	ssyncset.done $0x0  }
0x70: {  	[sflag:s25] =	ssyncadd.s32 $0xFFFFC000  }
0x71: {  	_ =	swait.ge [sflag:s25], $0x4000  }
0x72: {  	[sflag:s25] =	ssyncset.done $0x0  }
0x73: {  	[sflag:s25] =	ssyncadd.s32 $0xFFFFC000  }
0x74: {  	_ =	swait.ge [sflag:s25], $0x2000  }
0x75: {  	[sflag:s25] =	ssyncset.done $0x0  }
0x76: {  	s2 =	sadd.s32 $0x3C0, s31;
	[sflag:s25] =	ssyncadd.s32 $0xFFFFE000  }
0x77: {  	[tilespmem:s11], [sflag:$0x1] =	stream.indirect.gather [hbm4b:s1+s10], $0x80, s2, s10, $0xb8;
	[tilespmem:$0x1F900] =	vst v63  }
0x78: {  	s2 =	sadd.s32 $0x440, s31  }
0x79: {  	[tilespmem:s12], [sflag:$0x1] =	stream.indirect.gather [hbm4b:s1+s10], $0x80, s2, s10, $0xb8;
	[tilespmem:$0x1F900] =	vst v63  }
0x7a: {  	s2 =	sadd.s32 $0x4C0, s31  }
0x7b: {  	[tilespmem:s15], [sflag:$0x1] =	stream.indirect.gather [hbm4b:s1+s13], $0x80, s2, s13, $0xb8;
	[tilespmem:$0x1F900] =	vst v63  }
0x7c: {  	_ = 	snop  }
0x7d: {  	[hbm4b:s30+s3] =	stream.linear.scatter [tilespmem:s17], [sflag:$0x4], $0xA000, $0x38;
	[tilespmem:$0x1F900] =	vst v63  }
0x7e: {  	_ =	swait.ge [sflag:s9], $0xA000  }
0x7f: {  	[sflag:s9] =	ssyncset.done $0x0  }
0x80: {  	[sflag:s9] =	ssyncadd.s32 $0xFFFF6000  }
0x81: {  	_ =	swait.ge [sflag:s26], $0x4000  }
0x82: {  	[sflag:s26] =	ssyncset.done $0x0  }
0x83: {  	[sflag:s26] =	ssyncadd.s32 $0xFFFFC000  }
0x84: {  	_ =	swait.ge [sflag:s26], $0x4000  }
0x85: {  	[sflag:s26] =	ssyncset.done $0x0  }
0x86: {  	[sflag:s26] =	ssyncadd.s32 $0xFFFFC000  }
0x87: {  	_ =	swait.ge [sflag:s26], $0x2000  }
0x88: {  	[sflag:s26] =	ssyncset.done $0x0  }
0x89: {  	s2 =	sadd.s32 $0x500, s31;
	[sflag:s26] =	ssyncadd.s32 $0xFFFFE000  }
0x8a: {  	[tilespmem:s17], [sflag:$0x2] =	stream.indirect.gather [hbm4b:s1+s10], $0x80, s2, s10, $0xb8;
	[tilespmem:$0x1F900] =	vst v63  }
0x8b: {  	s2 =	sadd.s32 $0x580, s31  }
0x8c: {  	[tilespmem:s19], [sflag:$0x2] =	stream.indirect.gather [hbm4b:s1+s10], $0x80, s2, s10, $0xb8;
	[tilespmem:$0x1F900] =	vst v63  }
0x8d: {  	p0 =	sne.s32 s29, $0x4B00;
	s2 =	sadd.s32 $0x600, s31  }
0x8e: {  	[tilespmem:s21], [sflag:$0x2] =	stream.indirect.gather [hbm4b:s1+s13], $0x80, s2, s13, $0xb8;
	[tilespmem:$0x1F900] =	vst v63  }
.Ltmp0:
0x8f: {  	_ = 	snop;
	(pc) =	sbr.rel @p0 .LBB2_2-.Ltmp0, $4  }
0x90: {  	s31 =	sadd.s32 $0x1400, s30  }
0x91: {  	[hbm4b:s31+s3] =	stream.linear.scatter [tilespmem:s23], [sflag:$0x4], $0xA000, $0x38;
	[tilespmem:$0x1F900] =	vst v63  }
0x92: {  	_ =	swait.ge [sflag:s9], $0xA000  }
0x93: {  	s29 =	sadd.s32 $0xF00, s29;
	[sflag:s9] =	ssyncset.done $0x0  }
0x94: {  	[sflag:s9] =	ssyncadd.s32 $0xFFFF6000  }
0x95: {  	_ =	swait.ge [sflag:s22], $0x4000  }
0x96: {  	[sflag:s22] =	ssyncset.done $0x0  }
0x97: {  	[sflag:s22] =	ssyncadd.s32 $0xFFFFC000  }
0x98: {  	_ =	swait.ge [sflag:s22], $0x4000  }
0x99: {  	[sflag:s22] =	ssyncset.done $0x0  }
0x9a: {  	[sflag:s22] =	ssyncadd.s32 $0xFFFFC000  }
0x9b: {  	_ =	swait.ge [sflag:s22], $0x2000  }
0x9c: {  	[sflag:s22] =	ssyncset.done $0x0  }
0x9d: {  	[sflag:s22] =	ssyncadd.s32 $0xFFFFE000  }
0x9e: {  	[hbm4b:s5+s3] =	stream.linear.scatter [tilespmem:s11], [sflag:$0x4], $0xA000, $0x38;
	[tilespmem:$0x1F900] =	vst v63  }
0x9f: {  	_ =	swait.ge [sflag:s9], $0xA000  }
0xa0: {  	[sflag:s9] =	ssyncset.done $0x0  }
0xa1: {  	[sflag:s9] =	ssyncadd.s32 $0xFFFF6000  }
0xa2: {  	_ =	swait.ge [sflag:s25], $0x4000  }
0xa3: {  	[sflag:s25] =	ssyncset.done $0x0  }
0xa4: {  	[sflag:s25] =	ssyncadd.s32 $0xFFFFC000  }
0xa5: {  	_ =	swait.ge [sflag:s25], $0x4000  }
0xa6: {  	[sflag:s25] =	ssyncset.done $0x0  }
0xa7: {  	[sflag:s25] =	ssyncadd.s32 $0xFFFFC000  }
0xa8: {  	s28 =	sadd.s32 $0x1, s28;
	_ =	swait.ge [sflag:s25], $0x2000  }
0xa9: {  	p0 =	sne.s32 s28, s7;
	[sflag:s25] =	ssyncset.done $0x0  }
.Ltmp1:
0xaa: {  	[sflag:s25] =	ssyncadd.s32 $0xFFFFE000;
	(pc) =	sbr.rel @p0 .LBB2_1-.Ltmp1, $4  }
0xab: {  	[hbm4b:s6+s3] =	stream.linear.scatter [tilespmem:s17], [sflag:$0x4], $0xA000, $0x38;
	[tilespmem:$0x1F900] =	vst v63  }
0xac: {  	_ =	swait.ge [sflag:s9], $0xA000  }
0xad: {  	[sflag:s9] =	ssyncset.done $0x0  }
0xae: {  	[sflag:s9] =	ssyncadd.s32 $0xFFFF6000  }
0xaf: {  	_ =	sfence.sel $0x180000  }
0xb0: {  	[bflag:$0x0] =	sbarrier.arrive $0xFFFF  }
0xb1: {  	_ =	strace $0x90000047  }
0xb2: {  	s0 =	stileid.u32;
	[bflag:$0x2] =	sbarrier.arrive $0xFFFF  }
0xb3: {  	p0 =	sne.s32 s0, $0x0;
	s0 =	rddreg [dreg:$0x3]  }
0xb4: {  	s0 =	sadd.s32 @!p0 $0x100000, s0  }
0xb5: {  	[sflag:s0] =	ssyncadd.tile.s32 @!p0 $0x1;
	_ =	shalt  }
.Lfunc_end2:
_tile_overlayer_lowered:
.L_overlay_start_2:
0xb6: {  	(tag) =	ssettag $0x2  }
0xb7: {  	s0 =	rddreg [dreg:$0x0];
	s2 =	stileid.u32  }
0xb8: {  	s1 =	rddreg [dreg:$0x1];
	p0 =	sne.s32 s2, $0x0  }
0xb9: {  	s3 =	rddreg [dreg:$0x2];
	[bflag:$0x3] =	sbarrier.arrive $0xFFFF;
	s2 =	simm.s32 @!p0 $0x1C04  }
0xba: {  	[timem:s3], [sflag:s2] =	dma.local @!p0 [hbm:s0], s1  }
0xbb: {  	s0 =	simm.s32 @!p0 $0x4  }
0xbc: {  	_ =	swait.ge @!p0 [sflag:s0], s1  }
0xbd: {  	s1 =	ssub.s32 @!p0 $0x0, s1;
	[sflag:s0] =	ssyncset.done @!p0 $0x0  }
0xbe: {  	[sflag:s0] =	ssyncadd.s32 @!p0 s1  }
0xbf: {  	[bflag:$0x3] =	sbarrier.arrive $0xFFFF  }
0xc0: {  	_ =	shalt  }

</sc_bundles>
